<compile_context>
chip_gen: v7x
topology: tpu7x:2x2x1
jax: 0.10.2.dev20260603
libtpu: 0.0.44.dev20260713+nightly
codegen_flags: <defaults>
</compile_context>

<pallas_src>
import functools

import jax
import jax.numpy as jnp
from jax import lax
from jax.experimental import pallas as pl
from jax.experimental.pallas import tpu as pltpu
from jax.experimental.pallas import tpu_sc as plsc

_BATCH, _HIST, _DIM = 4096, 50, 128
_NW = 32
_PER_W = _BATCH // _NW
_NBUF = 5
_NROUND = _HIST // _NBUF


def _sc_gather(ids_t, table):
    mesh = plsc.VectorSubcoreMesh(core_axis_name="c", subcore_axis_name="s")
    scratch = [pltpu.VMEM((_HIST, _PER_W), jnp.int32)]
    scratch += [pltpu.VMEM((_PER_W, _DIM), jnp.float32) for _ in range(_NBUF)]
    scratch += [pltpu.SemaphoreType.DMA for _ in range(_NBUF)]

    @functools.partial(
        pl.kernel,
        out_type=jax.ShapeDtypeStruct((_HIST, _BATCH, _DIM), jnp.float32),
        mesh=mesh,
        scratch_types=scratch,
    )
    def k(ids_hbm, table_hbm, out_hbm, idx_v, *rest):
        bufs = rest[:_NBUF]
        sems = rest[_NBUF:]
        wid = lax.axis_index("s") * 2 + lax.axis_index("c")
        b0 = wid * _PER_W
        pltpu.sync_copy(ids_hbm.at[:, pl.ds(b0, _PER_W)], idx_v)
        for b in range(_NBUF):
            pltpu.async_copy(table_hbm.at[idx_v.at[b]], bufs[b], sems[b])

        def round_body(o, carry):
            for b in range(_NBUF):
                h = o * _NBUF + b
                pltpu.make_async_copy(
                    table_hbm.at[idx_v.at[h]], bufs[b], sems[b]).wait()
                pltpu.sync_copy(bufs[b], out_hbm.at[h, pl.ds(b0, _PER_W)])
                pltpu.async_copy(
                    table_hbm.at[idx_v.at[h + _NBUF]], bufs[b], sems[b])
            return carry

        lax.fori_loop(0, _NROUND - 1, round_body, 0)

        o = _NROUND - 1
        for b in range(_NBUF):
            h = o * _NBUF + b
            pltpu.make_async_copy(
                table_hbm.at[idx_v.at[h]], bufs[b], sems[b]).wait()
            pltpu.sync_copy(bufs[b], out_hbm.at[h, pl.ds(b0, _PER_W)])

    return k(ids_t, table)


def kernel(input_ids, embeddings):
    ids_t = input_ids.T.astype(jnp.int32)
    out = _sc_gather(ids_t, embeddings)
    return out.transpose(1, 0, 2)

# --- scband reference (transcript-rebuilt; emitter-appended) ---
"""Pipeline reference for scband-frozen-embeddings-29953101923037 (READ-ONLY COPY).

The authoritative reference and input builder live on the scoring server;
editing this copy changes nothing except your own understanding.
"""

import jax, jax.numpy as jnp
import numpy as np

VOCAB = 100000
DIM = 128
BATCH = 4096
HIST = 50

def setup_inputs(seed: int = 0) -> dict:
    key = jax.random.key(seed)
    k1, k2 = jax.random.split(key)
    input_ids = jax.random.randint(k1, (BATCH, HIST), 0, VOCAB, dtype=jnp.int64 if jax.config.jax_enable_x64 else jnp.int32)
    embeddings = jax.random.normal(k2, (VOCAB, DIM), dtype=jnp.float32)
    return {"input_ids": input_ids, "embeddings": embeddings}

def reference(input_ids, embeddings):
    # FrozenEmbeddings.call with mode='embedding': tf.gather(self.embeddings, input_ids)
    return jnp.take(embeddings, input_ids, axis=0)

if __name__ == "__main__":
    import jax
    _d = setup_inputs()
    print(jax.jit(kernel)(*tuple(_d.values())))

</pallas_src>

<mosaic_0001>
#map = affine_map<(d0, d1) -> (0, 0)>
#map1 = affine_map<(d0, d1) -> (0, 0, 0)>
module attributes {stable_mosaic.version = 14 : i64} {
  func.func @k(%arg0: i32, %arg1: i32, %arg2: memref<50x4096xi32, #tpu.memory_space<hbm>>, %arg3: memref<100000x128xf32, #tpu.memory_space<hbm>>, %arg4: memref<50x4096x128xf32, #tpu.memory_space<hbm>>, %arg5: memref<50x128xi32, #tpu.memory_space<vmem>>, %arg6: memref<128x128xf32, #tpu.memory_space<vmem>>, %arg7: memref<128x128xf32, #tpu.memory_space<vmem>>, %arg8: memref<128x128xf32, #tpu.memory_space<vmem>>, %arg9: memref<128x128xf32, #tpu.memory_space<vmem>>, %arg10: memref<128x128xf32, #tpu.memory_space<vmem>>, %arg11: memref<!tpu.dma_semaphore, #tpu.memory_space<semaphore_mem>>, %arg12: memref<!tpu.dma_semaphore, #tpu.memory_space<semaphore_mem>>, %arg13: memref<!tpu.dma_semaphore, #tpu.memory_space<semaphore_mem>>, %arg14: memref<!tpu.dma_semaphore, #tpu.memory_space<semaphore_mem>>, %arg15: memref<!tpu.dma_semaphore, #tpu.memory_space<semaphore_mem>>) attributes {dimension_semantics = [#tpu.dimension_semantics<core_parallel>, #tpu.dimension_semantics<subcore_parallel>], iteration_bounds = array<i64: 2, 16>, scalar_prefetch = 0 : i64, scratch_operands = 11 : i64, tpu.core_type = #tpu.core_type<sc_vector_subcore>, window_params = [{transform_indices = #map}, {transform_indices = #map}, {transform_indices = #map1}]} {
    %mul3A = arith.constant 2 : i32
    %mul3A_0 = arith.muli %arg1, %mul3A : i32
    %add3A = arith.addi %mul3A_0, %arg0 : i32
    %mul3A_1 = arith.constant 128 : i32
    %mul3A_2 = arith.muli %add3A, %mul3A_1 : i32
    "tpu.region"() ({
      %run_scoped3A_80 = tpu.sem_alloc : memref<!tpu.dma_semaphore, #tpu.memory_space<semaphore_mem>>
      %dma_start3A_81 = arith.constant 0 : i32
      %dma_start3A_82 = tpu.memref_slice %arg2[%dma_start3A_81, %mul3A_2] : memref<50x4096xi32, #tpu.memory_space<hbm>> -> memref<50x128xi32, #tpu.memory_space<hbm>>
      %dma_start3A_83 = arith.constant 0 : i32
      %dma_start3A_84 = tpu.memref_slice %arg2[%dma_start3A_83, %mul3A_2] : memref<50x4096xi32, #tpu.memory_space<hbm>> -> memref<50x128xi32, #tpu.memory_space<hbm>>
      tpu.enqueue_dma source(%dma_start3A_84 : memref<50x128xi32, #tpu.memory_space<hbm>>) target(%arg5 : memref<50x128xi32, #tpu.memory_space<vmem>>) target_semaphore(%run_scoped3A_80 : memref<!tpu.dma_semaphore, #tpu.memory_space<semaphore_mem>>)
      %dma_wait3A_85 = arith.constant 0 : i32
      %dma_wait3A_86 = tpu.memref_slice %arg2[%dma_wait3A_85, %mul3A_2] : memref<50x4096xi32, #tpu.memory_space<hbm>> -> memref<50x128xi32, #tpu.memory_space<hbm>>
      %dma_wait3A_87 = arith.constant 0 : i32
      %dma_wait3A_88 = tpu.memref_slice %arg2[%dma_wait3A_87, %mul3A_2] : memref<50x4096xi32, #tpu.memory_space<hbm>> -> memref<50x128xi32, #tpu.memory_space<hbm>>
      tpu.wait_dma2 semaphore(%run_scoped3A_80 : memref<!tpu.dma_semaphore, #tpu.memory_space<semaphore_mem>>) src(%dma_wait3A_88 : memref<50x128xi32, #tpu.memory_space<hbm>>) dst(%arg5 : memref<50x128xi32, #tpu.memory_space<vmem>>)
      tpu.yield
    }) : () -> ()
    %dma_start3A = arith.constant 0 : i32
    %dma_start3A_3 = arith.constant 0 : i32
    %dma_start3A_4 = tpu.memref_slice %arg5[%dma_start3A, %dma_start3A_3] : memref<50x128xi32, #tpu.memory_space<vmem>> -> memref<1x128xi32, #tpu.memory_space<vmem>>
    %dma_start3A_5 = tpu.memref_squeeze %dma_start3A_4 : memref<1x128xi32, #tpu.memory_space<vmem>> -> memref<128xi32, #tpu.memory_space<vmem>>
    %dma_start3A_6 = arith.constant 0 : i32
    %dma_start3A_7 = arith.constant 0 : i32
    %dma_start3A_8 = tpu.memref_slice %arg3[%dma_start3A_6, %dma_start3A_7] : memref<100000x128xf32, #tpu.memory_space<hbm>> -> memref<100000x128xf32, #tpu.memory_space<hbm>>
    tpu.enqueue_indirect_dma source(%dma_start3A_8 : memref<100000x128xf32, #tpu.memory_space<hbm>>) target(%arg6 : memref<128x128xf32, #tpu.memory_space<vmem>>) offsets(%dma_start3A_5 : memref<128xi32, #tpu.memory_space<vmem>>) semaphore(%arg11 : memref<!tpu.dma_semaphore, #tpu.memory_space<semaphore_mem>>)
    %dma_start3A_9 = arith.constant 1 : i32
    %dma_start3A_10 = arith.constant 0 : i32
    %dma_start3A_11 = tpu.memref_slice %arg5[%dma_start3A_9, %dma_start3A_10] : memref<50x128xi32, #tpu.memory_space<vmem>> -> memref<1x128xi32, #tpu.memory_space<vmem>>
    %dma_start3A_12 = tpu.memref_squeeze %dma_start3A_11 : memref<1x128xi32, #tpu.memory_space<vmem>> -> memref<128xi32, #tpu.memory_space<vmem>>
    %dma_start3A_13 = arith.constant 0 : i32
    %dma_start3A_14 = arith.constant 0 : i32
    %dma_start3A_15 = tpu.memref_slice %arg3[%dma_start3A_13, %dma_start3A_14] : memref<100000x128xf32, #tpu.memory_space<hbm>> -> memref<100000x128xf32, #tpu.memory_space<hbm>>
    tpu.enqueue_indirect_dma source(%dma_start3A_15 : memref<100000x128xf32, #tpu.memory_space<hbm>>) target(%arg7 : memref<128x128xf32, #tpu.memory_space<vmem>>) offsets(%dma_start3A_12 : memref<128xi32, #tpu.memory_space<vmem>>) semaphore(%arg12 : memref<!tpu.dma_semaphore, #tpu.memory_space<semaphore_mem>>)
    %dma_start3A_16 = arith.constant 2 : i32
    %dma_start3A_17 = arith.constant 0 : i32
    %dma_start3A_18 = tpu.memref_slice %arg5[%dma_start3A_16, %dma_start3A_17] : memref<50x128xi32, #tpu.memory_space<vmem>> -> memref<1x128xi32, #tpu.memory_space<vmem>>
    %dma_start3A_19 = tpu.memref_squeeze %dma_start3A_18 : memref<1x128xi32, #tpu.memory_space<vmem>> -> memref<128xi32, #tpu.memory_space<vmem>>
    %dma_start3A_20 = arith.constant 0 : i32
    %dma_start3A_21 = arith.constant 0 : i32
    %dma_start3A_22 = tpu.memref_slice %arg3[%dma_start3A_20, %dma_start3A_21] : memref<100000x128xf32, #tpu.memory_space<hbm>> -> memref<100000x128xf32, #tpu.memory_space<hbm>>
    tpu.enqueue_indirect_dma source(%dma_start3A_22 : memref<100000x128xf32, #tpu.memory_space<hbm>>) target(%arg8 : memref<128x128xf32, #tpu.memory_space<vmem>>) offsets(%dma_start3A_19 : memref<128xi32, #tpu.memory_space<vmem>>) semaphore(%arg13 : memref<!tpu.dma_semaphore, #tpu.memory_space<semaphore_mem>>)
    %dma_start3A_23 = arith.constant 3 : i32
    %dma_start3A_24 = arith.constant 0 : i32
    %dma_start3A_25 = tpu.memref_slice %arg5[%dma_start3A_23, %dma_start3A_24] : memref<50x128xi32, #tpu.memory_space<vmem>> -> memref<1x128xi32, #tpu.memory_space<vmem>>
    %dma_start3A_26 = tpu.memref_squeeze %dma_start3A_25 : memref<1x128xi32, #tpu.memory_space<vmem>> -> memref<128xi32, #tpu.memory_space<vmem>>
    %dma_start3A_27 = arith.constant 0 : i32
    %dma_start3A_28 = arith.constant 0 : i32
    %dma_start3A_29 = tpu.memref_slice %arg3[%dma_start3A_27, %dma_start3A_28] : memref<100000x128xf32, #tpu.memory_space<hbm>> -> memref<100000x128xf32, #tpu.memory_space<hbm>>
    tpu.enqueue_indirect_dma source(%dma_start3A_29 : memref<100000x128xf32, #tpu.memory_space<hbm>>) target(%arg9 : memref<128x128xf32, #tpu.memory_space<vmem>>) offsets(%dma_start3A_26 : memref<128xi32, #tpu.memory_space<vmem>>) semaphore(%arg14 : memref<!tpu.dma_semaphore, #tpu.memory_space<semaphore_mem>>)
    %dma_start3A_30 = arith.constant 4 : i32
    %dma_start3A_31 = arith.constant 0 : i32
    %dma_start3A_32 = tpu.memref_slice %arg5[%dma_start3A_30, %dma_start3A_31] : memref<50x128xi32, #tpu.memory_space<vmem>> -> memref<1x128xi32, #tpu.memory_space<vmem>>
    %dma_start3A_33 = tpu.memref_squeeze %dma_start3A_32 : memref<1x128xi32, #tpu.memory_space<vmem>> -> memref<128xi32, #tpu.memory_space<vmem>>
    %dma_start3A_34 = arith.constant 0 : i32
    %dma_start3A_35 = arith.constant 0 : i32
    %dma_start3A_36 = tpu.memref_slice %arg3[%dma_start3A_34, %dma_start3A_35] : memref<100000x128xf32, #tpu.memory_space<hbm>> -> memref<100000x128xf32, #tpu.memory_space<hbm>>
    tpu.enqueue_indirect_dma source(%dma_start3A_36 : memref<100000x128xf32, #tpu.memory_space<hbm>>) target(%arg10 : memref<128x128xf32, #tpu.memory_space<vmem>>) offsets(%dma_start3A_33 : memref<128xi32, #tpu.memory_space<vmem>>) semaphore(%arg15 : memref<!tpu.dma_semaphore, #tpu.memory_space<semaphore_mem>>)
    %scan3A = arith.constant 0 : i32
    %scan3A_37 = arith.constant 0 : i32
    %scan3A_38 = arith.constant 9 : i32
    %scan3A_39 = arith.addi %scan3A_37, %scan3A_38 : i32
    %scan3A_40 = arith.constant 1 : i32
    scf.for %scan3A_80 = %scan3A_37 to %scan3A_39 step %scan3A_40  : i32 {
      %mul3A_81 = arith.constant 5 : i32
      %mul3A_82 = arith.muli %scan3A_80, %mul3A_81 : i32
      %add3A_83 = arith.constant 0 : i32
      %add3A_84 = arith.addi %mul3A_82, %add3A_83 : i32
      %dma_wait3A_85 = arith.constant 0 : i32
      %dma_wait3A_86 = tpu.memref_slice %arg5[%add3A_84, %dma_wait3A_85] : memref<50x128xi32, #tpu.memory_space<vmem>> -> memref<1x128xi32, #tpu.memory_space<vmem>>
      %dma_wait3A_87 = tpu.memref_squeeze %dma_wait3A_86 : memref<1x128xi32, #tpu.memory_space<vmem>> -> memref<128xi32, #tpu.memory_space<vmem>>
      %dma_wait3A_88 = arith.constant 0 : i32
      %dma_wait3A_89 = arith.constant 0 : i32
      %dma_wait3A_90 = tpu.memref_slice %arg3[%dma_wait3A_88, %dma_wait3A_89] : memref<100000x128xf32, #tpu.memory_space<hbm>> -> memref<100000x128xf32, #tpu.memory_space<hbm>>
      tpu.wait_indirect_dma semaphore(%arg11 : memref<!tpu.dma_semaphore, #tpu.memory_space<semaphore_mem>>) src(%dma_wait3A_90 : memref<100000x128xf32, #tpu.memory_space<hbm>>) dst(%arg6 : memref<128x128xf32, #tpu.memory_space<vmem>>)
      "tpu.region"() ({
        %run_scoped3A_171 = tpu.sem_alloc : memref<!tpu.dma_semaphore, #tpu.memory_space<semaphore_mem>>
        %dma_start3A_172 = arith.constant 0 : i32
        %dma_start3A_173 = tpu.memref_slice %arg4[%add3A_84, %mul3A_2, %dma_start3A_172] : memref<50x4096x128xf32, #tpu.memory_space<hbm>> -> memref<1x128x128xf32, #tpu.memory_space<hbm>>
        %dma_start3A_174 = tpu.memref_squeeze %dma_start3A_173 : memref<1x128x128xf32, #tpu.memory_space<hbm>> -> memref<128x128xf32, #tpu.memory_space<hbm>>
        %dma_start3A_175 = arith.constant 0 : i32
        %dma_start3A_176 = tpu.memref_slice %arg4[%add3A_84, %mul3A_2, %dma_start3A_175] : memref<50x4096x128xf32, #tpu.memory_space<hbm>> -> memref<1x128x128xf32, #tpu.memory_space<hbm>>
        %dma_start3A_177 = tpu.memref_squeeze %dma_start3A_176 : memref<1x128x128xf32, #tpu.memory_space<hbm>> -> memref<128x128xf32, #tpu.memory_space<hbm>>
        tpu.enqueue_dma source(%arg6 : memref<128x128xf32, #tpu.memory_space<vmem>>) target(%dma_start3A_177 : memref<128x128xf32, #tpu.memory_space<hbm>>) target_semaphore(%run_scoped3A_171 : memref<!tpu.dma_semaphore, #tpu.memory_space<semaphore_mem>>)
        %dma_wait3A_178 = arith.constant 0 : i32
        %dma_wait3A_179 = tpu.memref_slice %arg4[%add3A_84, %mul3A_2, %dma_wait3A_178] : memref<50x4096x128xf32, #tpu.memory_space<hbm>> -> memref<1x128x128xf32, #tpu.memory_space<hbm>>
        %dma_wait3A_180 = tpu.memref_squeeze %dma_wait3A_179 : memref<1x128x128xf32, #tpu.memory_space<hbm>> -> memref<128x128xf32, #tpu.memory_space<hbm>>
        %dma_wait3A_181 = arith.constant 0 : i32
        %dma_wait3A_182 = tpu.memref_slice %arg4[%add3A_84, %mul3A_2, %dma_wait3A_181] : memref<50x4096x128xf32, #tpu.memory_space<hbm>> -> memref<1x128x128xf32, #tpu.memory_space<hbm>>
        %dma_wait3A_183 = tpu.memref_squeeze %dma_wait3A_182 : memref<1x128x128xf32, #tpu.memory_space<hbm>> -> memref<128x128xf32, #tpu.memory_space<hbm>>
        tpu.wait_dma2 semaphore(%run_scoped3A_171 : memref<!tpu.dma_semaphore, #tpu.memory_space<semaphore_mem>>) src(%arg6 : memref<128x128xf32, #tpu.memory_space<vmem>>) dst(%dma_wait3A_183 : memref<128x128xf32, #tpu.memory_space<hbm>>)
        tpu.yield
      }) : () -> ()
      %add3A_91 = arith.constant 5 : i32
      %add3A_92 = arith.addi %add3A_84, %add3A_91 : i32
      %dma_start3A_93 = arith.constant 0 : i32
      %dma_start3A_94 = tpu.memref_slice %arg5[%add3A_92, %dma_start3A_93] : memref<50x128xi32, #tpu.memory_space<vmem>> -> memref<1x128xi32, #tpu.memory_space<vmem>>
      %dma_start3A_95 = tpu.memref_squeeze %dma_start3A_94 : memref<1x128xi32, #tpu.memory_space<vmem>> -> memref<128xi32, #tpu.memory_space<vmem>>
      %dma_start3A_96 = arith.constant 0 : i32
      %dma_start3A_97 = arith.constant 0 : i32
      %dma_start3A_98 = tpu.memref_slice %arg3[%dma_start3A_96, %dma_start3A_97] : memref<100000x128xf32, #tpu.memory_space<hbm>> -> memref<100000x128xf32, #tpu.memory_space<hbm>>
      tpu.enqueue_indirect_dma source(%dma_start3A_98 : memref<100000x128xf32, #tpu.memory_space<hbm>>) target(%arg6 : memref<128x128xf32, #tpu.memory_space<vmem>>) offsets(%dma_start3A_95 : memref<128xi32, #tpu.memory_space<vmem>>) semaphore(%arg11 : memref<!tpu.dma_semaphore, #tpu.memory_space<semaphore_mem>>)
      %mul3A_99 = arith.constant 5 : i32
      %mul3A_100 = arith.muli %scan3A_80, %mul3A_99 : i32
      %add3A_101 = arith.constant 1 : i32
      %add3A_102 = arith.addi %mul3A_100, %add3A_101 : i32
      %dma_wait3A_103 = arith.constant 0 : i32
      %dma_wait3A_104 = tpu.memref_slice %arg5[%add3A_102, %dma_wait3A_103] : memref<50x128xi32, #tpu.memory_space<vmem>> -> memref<1x128xi32, #tpu.memory_space<vmem>>
      %dma_wait3A_105 = tpu.memref_squeeze %dma_wait3A_104 : memref<1x128xi32, #tpu.memory_space<vmem>> -> memref<128xi32, #tpu.memory_space<vmem>>
      %dma_wait3A_106 = arith.constant 0 : i32
      %dma_wait3A_107 = arith.constant 0 : i32
      %dma_wait3A_108 = tpu.memref_slice %arg3[%dma_wait3A_106, %dma_wait3A_107] : memref<100000x128xf32, #tpu.memory_space<hbm>> -> memref<100000x128xf32, #tpu.memory_space<hbm>>
      tpu.wait_indirect_dma semaphore(%arg12 : memref<!tpu.dma_semaphore, #tpu.memory_space<semaphore_mem>>) src(%dma_wait3A_108 : memref<100000x128xf32, #tpu.memory_space<hbm>>) dst(%arg7 : memref<128x128xf32, #tpu.memory_space<vmem>>)
      "tpu.region"() ({
        %run_scoped3A_171 = tpu.sem_alloc : memref<!tpu.dma_semaphore, #tpu.memory_space<semaphore_mem>>
        %dma_start3A_172 = arith.constant 0 : i32
        %dma_start3A_173 = tpu.memref_slice %arg4[%add3A_102, %mul3A_2, %dma_start3A_172] : memref<50x4096x128xf32, #tpu.memory_space<hbm>> -> memref<1x128x128xf32, #tpu.memory_space<hbm>>
        %dma_start3A_174 = tpu.memref_squeeze %dma_start3A_173 : memref<1x128x128xf32, #tpu.memory_space<hbm>> -> memref<128x128xf32, #tpu.memory_space<hbm>>
        %dma_start3A_175 = arith.constant 0 : i32
        %dma_start3A_176 = tpu.memref_slice %arg4[%add3A_102, %mul3A_2, %dma_start3A_175] : memref<50x4096x128xf32, #tpu.memory_space<hbm>> -> memref<1x128x128xf32, #tpu.memory_space<hbm>>
        %dma_start3A_177 = tpu.memref_squeeze %dma_start3A_176 : memref<1x128x128xf32, #tpu.memory_space<hbm>> -> memref<128x128xf32, #tpu.memory_space<hbm>>
        tpu.enqueue_dma source(%arg7 : memref<128x128xf32, #tpu.memory_space<vmem>>) target(%dma_start3A_177 : memref<128x128xf32, #tpu.memory_space<hbm>>) target_semaphore(%run_scoped3A_171 : memref<!tpu.dma_semaphore, #tpu.memory_space<semaphore_mem>>)
        %dma_wait3A_178 = arith.constant 0 : i32
        %dma_wait3A_179 = tpu.memref_slice %arg4[%add3A_102, %mul3A_2, %dma_wait3A_178] : memref<50x4096x128xf32, #tpu.memory_space<hbm>> -> memref<1x128x128xf32, #tpu.memory_space<hbm>>
        %dma_wait3A_180 = tpu.memref_squeeze %dma_wait3A_179 : memref<1x128x128xf32, #tpu.memory_space<hbm>> -> memref<128x128xf32, #tpu.memory_space<hbm>>
        %dma_wait3A_181 = arith.constant 0 : i32
        %dma_wait3A_182 = tpu.memref_slice %arg4[%add3A_102, %mul3A_2, %dma_wait3A_181] : memref<50x4096x128xf32, #tpu.memory_space<hbm>> -> memref<1x128x128xf32, #tpu.memory_space<hbm>>
        %dma_wait3A_183 = tpu.memref_squeeze %dma_wait3A_182 : memref<1x128x128xf32, #tpu.memory_space<hbm>> -> memref<128x128xf32, #tpu.memory_space<hbm>>
        tpu.wait_dma2 semaphore(%run_scoped3A_171 : memref<!tpu.dma_semaphore, #tpu.memory_space<semaphore_mem>>) src(%arg7 : memref<128x128xf32, #tpu.memory_space<vmem>>) dst(%dma_wait3A_183 : memref<128x128xf32, #tpu.memory_space<hbm>>)
        tpu.yield
      }) : () -> ()
      %add3A_109 = arith.constant 5 : i32
      %add3A_110 = arith.addi %add3A_102, %add3A_109 : i32
      %dma_start3A_111 = arith.constant 0 : i32
      %dma_start3A_112 = tpu.memref_slice %arg5[%add3A_110, %dma_start3A_111] : memref<50x128xi32, #tpu.memory_space<vmem>> -> memref<1x128xi32, #tpu.memory_space<vmem>>
      %dma_start3A_113 = tpu.memref_squeeze %dma_start3A_112 : memref<1x128xi32, #tpu.memory_space<vmem>> -> memref<128xi32, #tpu.memory_space<vmem>>
      %dma_start3A_114 = arith.constant 0 : i32
      %dma_start3A_115 = arith.constant 0 : i32
      %dma_start3A_116 = tpu.memref_slice %arg3[%dma_start3A_114, %dma_start3A_115] : memref<100000x128xf32, #tpu.memory_space<hbm>> -> memref<100000x128xf32, #tpu.memory_space<hbm>>
      tpu.enqueue_indirect_dma source(%dma_start3A_116 : memref<100000x128xf32, #tpu.memory_space<hbm>>) target(%arg7 : memref<128x128xf32, #tpu.memory_space<vmem>>) offsets(%dma_start3A_113 : memref<128xi32, #tpu.memory_space<vmem>>) semaphore(%arg12 : memref<!tpu.dma_semaphore, #tpu.memory_space<semaphore_mem>>)
      %mul3A_117 = arith.constant 5 : i32
      %mul3A_118 = arith.muli %scan3A_80, %mul3A_117 : i32
      %add3A_119 = arith.constant 2 : i32
      %add3A_120 = arith.addi %mul3A_118, %add3A_119 : i32
      %dma_wait3A_121 = arith.constant 0 : i32
      %dma_wait3A_122 = tpu.memref_slice %arg5[%add3A_120, %dma_wait3A_121] : memref<50x128xi32, #tpu.memory_space<vmem>> -> memref<1x128xi32, #tpu.memory_space<vmem>>
      %dma_wait3A_123 = tpu.memref_squeeze %dma_wait3A_122 : memref<1x128xi32, #tpu.memory_space<vmem>> -> memref<128xi32, #tpu.memory_space<vmem>>
      %dma_wait3A_124 = arith.constant 0 : i32
      %dma_wait3A_125 = arith.constant 0 : i32
      %dma_wait3A_126 = tpu.memref_slice %arg3[%dma_wait3A_124, %dma_wait3A_125] : memref<100000x128xf32, #tpu.memory_space<hbm>> -> memref<100000x128xf32, #tpu.memory_space<hbm>>
      tpu.wait_indirect_dma semaphore(%arg13 : memref<!tpu.dma_semaphore, #tpu.memory_space<semaphore_mem>>) src(%dma_wait3A_126 : memref<100000x128xf32, #tpu.memory_space<hbm>>) dst(%arg8 : memref<128x128xf32, #tpu.memory_space<vmem>>)
      "tpu.region"() ({
        %run_scoped3A_171 = tpu.sem_alloc : memref<!tpu.dma_semaphore, #tpu.memory_space<semaphore_mem>>
        %dma_start3A_172 = arith.constant 0 : i32
        %dma_start3A_173 = tpu.memref_slice %arg4[%add3A_120, %mul3A_2, %dma_start3A_172] : memref<50x4096x128xf32, #tpu.memory_space<hbm>> -> memref<1x128x128xf32, #tpu.memory_space<hbm>>
        %dma_start3A_174 = tpu.memref_squeeze %dma_start3A_173 : memref<1x128x128xf32, #tpu.memory_space<hbm>> -> memref<128x128xf32, #tpu.memory_space<hbm>>
        %dma_start3A_175 = arith.constant 0 : i32
        %dma_start3A_176 = tpu.memref_slice %arg4[%add3A_120, %mul3A_2, %dma_start3A_175] : memref<50x4096x128xf32, #tpu.memory_space<hbm>> -> memref<1x128x128xf32, #tpu.memory_space<hbm>>
        %dma_start3A_177 = tpu.memref_squeeze %dma_start3A_176 : memref<1x128x128xf32, #tpu.memory_space<hbm>> -> memref<128x128xf32, #tpu.memory_space<hbm>>
        tpu.enqueue_dma source(%arg8 : memref<128x128xf32, #tpu.memory_space<vmem>>) target(%dma_start3A_177 : memref<128x128xf32, #tpu.memory_space<hbm>>) target_semaphore(%run_scoped3A_171 : memref<!tpu.dma_semaphore, #tpu.memory_space<semaphore_mem>>)
        %dma_wait3A_178 = arith.constant 0 : i32
        %dma_wait3A_179 = tpu.memref_slice %arg4[%add3A_120, %mul3A_2, %dma_wait3A_178] : memref<50x4096x128xf32, #tpu.memory_space<hbm>> -> memref<1x128x128xf32, #tpu.memory_space<hbm>>
        %dma_wait3A_180 = tpu.memref_squeeze %dma_wait3A_179 : memref<1x128x128xf32, #tpu.memory_space<hbm>> -> memref<128x128xf32, #tpu.memory_space<hbm>>
        %dma_wait3A_181 = arith.constant 0 : i32
        %dma_wait3A_182 = tpu.memref_slice %arg4[%add3A_120, %mul3A_2, %dma_wait3A_181] : memref<50x4096x128xf32, #tpu.memory_space<hbm>> -> memref<1x128x128xf32, #tpu.memory_space<hbm>>
        %dma_wait3A_183 = tpu.memref_squeeze %dma_wait3A_182 : memref<1x128x128xf32, #tpu.memory_space<hbm>> -> memref<128x128xf32, #tpu.memory_space<hbm>>
        tpu.wait_dma2 semaphore(%run_scoped3A_171 : memref<!tpu.dma_semaphore, #tpu.memory_space<semaphore_mem>>) src(%arg8 : memref<128x128xf32, #tpu.memory_space<vmem>>) dst(%dma_wait3A_183 : memref<128x128xf32, #tpu.memory_space<hbm>>)
        tpu.yield
      }) : () -> ()
      %add3A_127 = arith.constant 5 : i32
      %add3A_128 = arith.addi %add3A_120, %add3A_127 : i32
      %dma_start3A_129 = arith.constant 0 : i32
      %dma_start3A_130 = tpu.memref_slice %arg5[%add3A_128, %dma_start3A_129] : memref<50x128xi32, #tpu.memory_space<vmem>> -> memref<1x128xi32, #tpu.memory_space<vmem>>
      %dma_start3A_131 = tpu.memref_squeeze %dma_start3A_130 : memref<1x128xi32, #tpu.memory_space<vmem>> -> memref<128xi32, #tpu.memory_space<vmem>>
      %dma_start3A_132 = arith.constant 0 : i32
      %dma_start3A_133 = arith.constant 0 : i32
      %dma_start3A_134 = tpu.memref_slice %arg3[%dma_start3A_132, %dma_start3A_133] : memref<100000x128xf32, #tpu.memory_space<hbm>> -> memref<100000x128xf32, #tpu.memory_space<hbm>>
      tpu.enqueue_indirect_dma source(%dma_start3A_134 : memref<100000x128xf32, #tpu.memory_space<hbm>>) target(%arg8 : memref<128x128xf32, #tpu.memory_space<vmem>>) offsets(%dma_start3A_131 : memref<128xi32, #tpu.memory_space<vmem>>) semaphore(%arg13 : memref<!tpu.dma_semaphore, #tpu.memory_space<semaphore_mem>>)
      %mul3A_135 = arith.constant 5 : i32
      %mul3A_136 = arith.muli %scan3A_80, %mul3A_135 : i32
      %add3A_137 = arith.constant 3 : i32
      %add3A_138 = arith.addi %mul3A_136, %add3A_137 : i32
      %dma_wait3A_139 = arith.constant 0 : i32
      %dma_wait3A_140 = tpu.memref_slice %arg5[%add3A_138, %dma_wait3A_139] : memref<50x128xi32, #tpu.memory_space<vmem>> -> memref<1x128xi32, #tpu.memory_space<vmem>>
      %dma_wait3A_141 = tpu.memref_squeeze %dma_wait3A_140 : memref<1x128xi32, #tpu.memory_space<vmem>> -> memref<128xi32, #tpu.memory_space<vmem>>
      %dma_wait3A_142 = arith.constant 0 : i32
      %dma_wait3A_143 = arith.constant 0 : i32
      %dma_wait3A_144 = tpu.memref_slice %arg3[%dma_wait3A_142, %dma_wait3A_143] : memref<100000x128xf32, #tpu.memory_space<hbm>> -> memref<100000x128xf32, #tpu.memory_space<hbm>>
      tpu.wait_indirect_dma semaphore(%arg14 : memref<!tpu.dma_semaphore, #tpu.memory_space<semaphore_mem>>) src(%dma_wait3A_144 : memref<100000x128xf32, #tpu.memory_space<hbm>>) dst(%arg9 : memref<128x128xf32, #tpu.memory_space<vmem>>)
      "tpu.region"() ({
        %run_scoped3A_171 = tpu.sem_alloc : memref<!tpu.dma_semaphore, #tpu.memory_space<semaphore_mem>>
        %dma_start3A_172 = arith.constant 0 : i32
        %dma_start3A_173 = tpu.memref_slice %arg4[%add3A_138, %mul3A_2, %dma_start3A_172] : memref<50x4096x128xf32, #tpu.memory_space<hbm>> -> memref<1x128x128xf32, #tpu.memory_space<hbm>>
        %dma_start3A_174 = tpu.memref_squeeze %dma_start3A_173 : memref<1x128x128xf32, #tpu.memory_space<hbm>> -> memref<128x128xf32, #tpu.memory_space<hbm>>
        %dma_start3A_175 = arith.constant 0 : i32
        %dma_start3A_176 = tpu.memref_slice %arg4[%add3A_138, %mul3A_2, %dma_start3A_175] : memref<50x4096x128xf32, #tpu.memory_space<hbm>> -> memref<1x128x128xf32, #tpu.memory_space<hbm>>
        %dma_start3A_177 = tpu.memref_squeeze %dma_start3A_176 : memref<1x128x128xf32, #tpu.memory_space<hbm>> -> memref<128x128xf32, #tpu.memory_space<hbm>>
        tpu.enqueue_dma source(%arg9 : memref<128x128xf32, #tpu.memory_space<vmem>>) target(%dma_start3A_177 : memref<128x128xf32, #tpu.memory_space<hbm>>) target_semaphore(%run_scoped3A_171 : memref<!tpu.dma_semaphore, #tpu.memory_space<semaphore_mem>>)
        %dma_wait3A_178 = arith.constant 0 : i32
        %dma_wait3A_179 = tpu.memref_slice %arg4[%add3A_138, %mul3A_2, %dma_wait3A_178] : memref<50x4096x128xf32, #tpu.memory_space<hbm>> -> memref<1x128x128xf32, #tpu.memory_space<hbm>>
        %dma_wait3A_180 = tpu.memref_squeeze %dma_wait3A_179 : memref<1x128x128xf32, #tpu.memory_space<hbm>> -> memref<128x128xf32, #tpu.memory_space<hbm>>
        %dma_wait3A_181 = arith.constant 0 : i32
        %dma_wait3A_182 = tpu.memref_slice %arg4[%add3A_138, %mul3A_2, %dma_wait3A_181] : memref<50x4096x128xf32, #tpu.memory_space<hbm>> -> memref<1x128x128xf32, #tpu.memory_space<hbm>>
        %dma_wait3A_183 = tpu.memref_squeeze %dma_wait3A_182 : memref<1x128x128xf32, #tpu.memory_space<hbm>> -> memref<128x128xf32, #tpu.memory_space<hbm>>
        tpu.wait_dma2 semaphore(%run_scoped3A_171 : memref<!tpu.dma_semaphore, #tpu.memory_space<semaphore_mem>>) src(%arg9 : memref<128x128xf32, #tpu.memory_space<vmem>>) dst(%dma_wait3A_183 : memref<128x128xf32, #tpu.memory_space<hbm>>)
        tpu.yield
      }) : () -> ()
      %add3A_145 = arith.constant 5 : i32
      %add3A_146 = arith.addi %add3A_138, %add3A_145 : i32
      %dma_start3A_147 = arith.constant 0 : i32
      %dma_start3A_148 = tpu.memref_slice %arg5[%add3A_146, %dma_start3A_147] : memref<50x128xi32, #tpu.memory_space<vmem>> -> memref<1x128xi32, #tpu.memory_space<vmem>>
      %dma_start3A_149 = tpu.memref_squeeze %dma_start3A_148 : memref<1x128xi32, #tpu.memory_space<vmem>> -> memref<128xi32, #tpu.memory_space<vmem>>
      %dma_start3A_150 = arith.constant 0 : i32
      %dma_start3A_151 = arith.constant 0 : i32
      %dma_start3A_152 = tpu.memref_slice %arg3[%dma_start3A_150, %dma_start3A_151] : memref<100000x128xf32, #tpu.memory_space<hbm>> -> memref<100000x128xf32, #tpu.memory_space<hbm>>
      tpu.enqueue_indirect_dma source(%dma_start3A_152 : memref<100000x128xf32, #tpu.memory_space<hbm>>) target(%arg9 : memref<128x128xf32, #tpu.memory_space<vmem>>) offsets(%dma_start3A_149 : memref<128xi32, #tpu.memory_space<vmem>>) semaphore(%arg14 : memref<!tpu.dma_semaphore, #tpu.memory_space<semaphore_mem>>)
      %mul3A_153 = arith.constant 5 : i32
      %mul3A_154 = arith.muli %scan3A_80, %mul3A_153 : i32
      %add3A_155 = arith.constant 4 : i32
      %add3A_156 = arith.addi %mul3A_154, %add3A_155 : i32
      %dma_wait3A_157 = arith.constant 0 : i32
      %dma_wait3A_158 = tpu.memref_slice %arg5[%add3A_156, %dma_wait3A_157] : memref<50x128xi32, #tpu.memory_space<vmem>> -> memref<1x128xi32, #tpu.memory_space<vmem>>
      %dma_wait3A_159 = tpu.memref_squeeze %dma_wait3A_158 : memref<1x128xi32, #tpu.memory_space<vmem>> -> memref<128xi32, #tpu.memory_space<vmem>>
      %dma_wait3A_160 = arith.constant 0 : i32
      %dma_wait3A_161 = arith.constant 0 : i32
      %dma_wait3A_162 = tpu.memref_slice %arg3[%dma_wait3A_160, %dma_wait3A_161] : memref<100000x128xf32, #tpu.memory_space<hbm>> -> memref<100000x128xf32, #tpu.memory_space<hbm>>
      tpu.wait_indirect_dma semaphore(%arg15 : memref<!tpu.dma_semaphore, #tpu.memory_space<semaphore_mem>>) src(%dma_wait3A_162 : memref<100000x128xf32, #tpu.memory_space<hbm>>) dst(%arg10 : memref<128x128xf32, #tpu.memory_space<vmem>>)
      "tpu.region"() ({
        %run_scoped3A_171 = tpu.sem_alloc : memref<!tpu.dma_semaphore, #tpu.memory_space<semaphore_mem>>
        %dma_start3A_172 = arith.constant 0 : i32
        %dma_start3A_173 = tpu.memref_slice %arg4[%add3A_156, %mul3A_2, %dma_start3A_172] : memref<50x4096x128xf32, #tpu.memory_space<hbm>> -> memref<1x128x128xf32, #tpu.memory_space<hbm>>
        %dma_start3A_174 = tpu.memref_squeeze %dma_start3A_173 : memref<1x128x128xf32, #tpu.memory_space<hbm>> -> memref<128x128xf32, #tpu.memory_space<hbm>>
        %dma_start3A_175 = arith.constant 0 : i32
        %dma_start3A_176 = tpu.memref_slice %arg4[%add3A_156, %mul3A_2, %dma_start3A_175] : memref<50x4096x128xf32, #tpu.memory_space<hbm>> -> memref<1x128x128xf32, #tpu.memory_space<hbm>>
        %dma_start3A_177 = tpu.memref_squeeze %dma_start3A_176 : memref<1x128x128xf32, #tpu.memory_space<hbm>> -> memref<128x128xf32, #tpu.memory_space<hbm>>
        tpu.enqueue_dma source(%arg10 : memref<128x128xf32, #tpu.memory_space<vmem>>) target(%dma_start3A_177 : memref<128x128xf32, #tpu.memory_space<hbm>>) target_semaphore(%run_scoped3A_171 : memref<!tpu.dma_semaphore, #tpu.memory_space<semaphore_mem>>)
        %dma_wait3A_178 = arith.constant 0 : i32
        %dma_wait3A_179 = tpu.memref_slice %arg4[%add3A_156, %mul3A_2, %dma_wait3A_178] : memref<50x4096x128xf32, #tpu.memory_space<hbm>> -> memref<1x128x128xf32, #tpu.memory_space<hbm>>
        %dma_wait3A_180 = tpu.memref_squeeze %dma_wait3A_179 : memref<1x128x128xf32, #tpu.memory_space<hbm>> -> memref<128x128xf32, #tpu.memory_space<hbm>>
        %dma_wait3A_181 = arith.constant 0 : i32
        %dma_wait3A_182 = tpu.memref_slice %arg4[%add3A_156, %mul3A_2, %dma_wait3A_181] : memref<50x4096x128xf32, #tpu.memory_space<hbm>> -> memref<1x128x128xf32, #tpu.memory_space<hbm>>
        %dma_wait3A_183 = tpu.memref_squeeze %dma_wait3A_182 : memref<1x128x128xf32, #tpu.memory_space<hbm>> -> memref<128x128xf32, #tpu.memory_space<hbm>>
        tpu.wait_dma2 semaphore(%run_scoped3A_171 : memref<!tpu.dma_semaphore, #tpu.memory_space<semaphore_mem>>) src(%arg10 : memref<128x128xf32, #tpu.memory_space<vmem>>) dst(%dma_wait3A_183 : memref<128x128xf32, #tpu.memory_space<hbm>>)
        tpu.yield
      }) : () -> ()
      %add3A_163 = arith.constant 5 : i32
      %add3A_164 = arith.addi %add3A_156, %add3A_163 : i32
      %dma_start3A_165 = arith.constant 0 : i32
      %dma_start3A_166 = tpu.memref_slice %arg5[%add3A_164, %dma_start3A_165] : memref<50x128xi32, #tpu.memory_space<vmem>> -> memref<1x128xi32, #tpu.memory_space<vmem>>
      %dma_start3A_167 = tpu.memref_squeeze %dma_start3A_166 : memref<1x128xi32, #tpu.memory_space<vmem>> -> memref<128xi32, #tpu.memory_space<vmem>>
      %dma_start3A_168 = arith.constant 0 : i32
      %dma_start3A_169 = arith.constant 0 : i32
      %dma_start3A_170 = tpu.memref_slice %arg3[%dma_start3A_168, %dma_start3A_169] : memref<100000x128xf32, #tpu.memory_space<hbm>> -> memref<100000x128xf32, #tpu.memory_space<hbm>>
      tpu.enqueue_indirect_dma source(%dma_start3A_170 : memref<100000x128xf32, #tpu.memory_space<hbm>>) target(%arg10 : memref<128x128xf32, #tpu.memory_space<vmem>>) offsets(%dma_start3A_167 : memref<128xi32, #tpu.memory_space<vmem>>) semaphore(%arg15 : memref<!tpu.dma_semaphore, #tpu.memory_space<semaphore_mem>>)
    }
    %scan3A_41 = arith.constant 9 : i32
    %dma_wait3A = arith.constant 45 : i32
    %dma_wait3A_42 = arith.constant 0 : i32
    %dma_wait3A_43 = tpu.memref_slice %arg5[%dma_wait3A, %dma_wait3A_42] : memref<50x128xi32, #tpu.memory_space<vmem>> -> memref<1x128xi32, #tpu.memory_space<vmem>>
    %dma_wait3A_44 = tpu.memref_squeeze %dma_wait3A_43 : memref<1x128xi32, #tpu.memory_space<vmem>> -> memref<128xi32, #tpu.memory_space<vmem>>
    %dma_wait3A_45 = arith.constant 0 : i32
    %dma_wait3A_46 = arith.constant 0 : i32
    %dma_wait3A_47 = tpu.memref_slice %arg3[%dma_wait3A_45, %dma_wait3A_46] : memref<100000x128xf32, #tpu.memory_space<hbm>> -> memref<100000x128xf32, #tpu.memory_space<hbm>>
    tpu.wait_indirect_dma semaphore(%arg11 : memref<!tpu.dma_semaphore, #tpu.memory_space<semaphore_mem>>) src(%dma_wait3A_47 : memref<100000x128xf32, #tpu.memory_space<hbm>>) dst(%arg6 : memref<128x128xf32, #tpu.memory_space<vmem>>)
    %run_scoped3A = arith.constant 45 : i32
    "tpu.region"() ({
      %run_scoped3A_80 = tpu.sem_alloc : memref<!tpu.dma_semaphore, #tpu.memory_space<semaphore_mem>>
      %dma_start3A_81 = arith.constant 0 : i32
      %dma_start3A_82 = tpu.memref_slice %arg4[%run_scoped3A, %mul3A_2, %dma_start3A_81] : memref<50x4096x128xf32, #tpu.memory_space<hbm>> -> memref<1x128x128xf32, #tpu.memory_space<hbm>>
      %dma_start3A_83 = tpu.memref_squeeze %dma_start3A_82 : memref<1x128x128xf32, #tpu.memory_space<hbm>> -> memref<128x128xf32, #tpu.memory_space<hbm>>
      %dma_start3A_84 = arith.constant 0 : i32
      %dma_start3A_85 = tpu.memref_slice %arg4[%run_scoped3A, %mul3A_2, %dma_start3A_84] : memref<50x4096x128xf32, #tpu.memory_space<hbm>> -> memref<1x128x128xf32, #tpu.memory_space<hbm>>
      %dma_start3A_86 = tpu.memref_squeeze %dma_start3A_85 : memref<1x128x128xf32, #tpu.memory_space<hbm>> -> memref<128x128xf32, #tpu.memory_space<hbm>>
      tpu.enqueue_dma source(%arg6 : memref<128x128xf32, #tpu.memory_space<vmem>>) target(%dma_start3A_86 : memref<128x128xf32, #tpu.memory_space<hbm>>) target_semaphore(%run_scoped3A_80 : memref<!tpu.dma_semaphore, #tpu.memory_space<semaphore_mem>>)
      %dma_wait3A_87 = arith.constant 0 : i32
      %dma_wait3A_88 = tpu.memref_slice %arg4[%run_scoped3A, %mul3A_2, %dma_wait3A_87] : memref<50x4096x128xf32, #tpu.memory_space<hbm>> -> memref<1x128x128xf32, #tpu.memory_space<hbm>>
      %dma_wait3A_89 = tpu.memref_squeeze %dma_wait3A_88 : memref<1x128x128xf32, #tpu.memory_space<hbm>> -> memref<128x128xf32, #tpu.memory_space<hbm>>
      %dma_wait3A_90 = arith.constant 0 : i32
      %dma_wait3A_91 = tpu.memref_slice %arg4[%run_scoped3A, %mul3A_2, %dma_wait3A_90] : memref<50x4096x128xf32, #tpu.memory_space<hbm>> -> memref<1x128x128xf32, #tpu.memory_space<hbm>>
      %dma_wait3A_92 = tpu.memref_squeeze %dma_wait3A_91 : memref<1x128x128xf32, #tpu.memory_space<hbm>> -> memref<128x128xf32, #tpu.memory_space<hbm>>
      tpu.wait_dma2 semaphore(%run_scoped3A_80 : memref<!tpu.dma_semaphore, #tpu.memory_space<semaphore_mem>>) src(%arg6 : memref<128x128xf32, #tpu.memory_space<vmem>>) dst(%dma_wait3A_92 : memref<128x128xf32, #tpu.memory_space<hbm>>)
      tpu.yield
    }) : () -> ()
    %dma_wait3A_48 = arith.constant 46 : i32
    %dma_wait3A_49 = arith.constant 0 : i32
    %dma_wait3A_50 = tpu.memref_slice %arg5[%dma_wait3A_48, %dma_wait3A_49] : memref<50x128xi32, #tpu.memory_space<vmem>> -> memref<1x128xi32, #tpu.memory_space<vmem>>
    %dma_wait3A_51 = tpu.memref_squeeze %dma_wait3A_50 : memref<1x128xi32, #tpu.memory_space<vmem>> -> memref<128xi32, #tpu.memory_space<vmem>>
    %dma_wait3A_52 = arith.constant 0 : i32
    %dma_wait3A_53 = arith.constant 0 : i32
    %dma_wait3A_54 = tpu.memref_slice %arg3[%dma_wait3A_52, %dma_wait3A_53] : memref<100000x128xf32, #tpu.memory_space<hbm>> -> memref<100000x128xf32, #tpu.memory_space<hbm>>
    tpu.wait_indirect_dma semaphore(%arg12 : memref<!tpu.dma_semaphore, #tpu.memory_space<semaphore_mem>>) src(%dma_wait3A_54 : memref<100000x128xf32, #tpu.memory_space<hbm>>) dst(%arg7 : memref<128x128xf32, #tpu.memory_space<vmem>>)
    %run_scoped3A_55 = arith.constant 46 : i32
    "tpu.region"() ({
      %run_scoped3A_80 = tpu.sem_alloc : memref<!tpu.dma_semaphore, #tpu.memory_space<semaphore_mem>>
      %dma_start3A_81 = arith.constant 0 : i32
      %dma_start3A_82 = tpu.memref_slice %arg4[%run_scoped3A_55, %mul3A_2, %dma_start3A_81] : memref<50x4096x128xf32, #tpu.memory_space<hbm>> -> memref<1x128x128xf32, #tpu.memory_space<hbm>>
      %dma_start3A_83 = tpu.memref_squeeze %dma_start3A_82 : memref<1x128x128xf32, #tpu.memory_space<hbm>> -> memref<128x128xf32, #tpu.memory_space<hbm>>
      %dma_start3A_84 = arith.constant 0 : i32
      %dma_start3A_85 = tpu.memref_slice %arg4[%run_scoped3A_55, %mul3A_2, %dma_start3A_84] : memref<50x4096x128xf32, #tpu.memory_space<hbm>> -> memref<1x128x128xf32, #tpu.memory_space<hbm>>
      %dma_start3A_86 = tpu.memref_squeeze %dma_start3A_85 : memref<1x128x128xf32, #tpu.memory_space<hbm>> -> memref<128x128xf32, #tpu.memory_space<hbm>>
      tpu.enqueue_dma source(%arg7 : memref<128x128xf32, #tpu.memory_space<vmem>>) target(%dma_start3A_86 : memref<128x128xf32, #tpu.memory_space<hbm>>) target_semaphore(%run_scoped3A_80 : memref<!tpu.dma_semaphore, #tpu.memory_space<semaphore_mem>>)
      %dma_wait3A_87 = arith.constant 0 : i32
      %dma_wait3A_88 = tpu.memref_slice %arg4[%run_scoped3A_55, %mul3A_2, %dma_wait3A_87] : memref<50x4096x128xf32, #tpu.memory_space<hbm>> -> memref<1x128x128xf32, #tpu.memory_space<hbm>>
      %dma_wait3A_89 = tpu.memref_squeeze %dma_wait3A_88 : memref<1x128x128xf32, #tpu.memory_space<hbm>> -> memref<128x128xf32, #tpu.memory_space<hbm>>
      %dma_wait3A_90 = arith.constant 0 : i32
      %dma_wait3A_91 = tpu.memref_slice %arg4[%run_scoped3A_55, %mul3A_2, %dma_wait3A_90] : memref<50x4096x128xf32, #tpu.memory_space<hbm>> -> memref<1x128x128xf32, #tpu.memory_space<hbm>>
      %dma_wait3A_92 = tpu.memref_squeeze %dma_wait3A_91 : memref<1x128x128xf32, #tpu.memory_space<hbm>> -> memref<128x128xf32, #tpu.memory_space<hbm>>
      tpu.wait_dma2 semaphore(%run_scoped3A_80 : memref<!tpu.dma_semaphore, #tpu.memory_space<semaphore_mem>>) src(%arg7 : memref<128x128xf32, #tpu.memory_space<vmem>>) dst(%dma_wait3A_92 : memref<128x128xf32, #tpu.memory_space<hbm>>)
      tpu.yield
    }) : () -> ()
    %dma_wait3A_56 = arith.constant 47 : i32
    %dma_wait3A_57 = arith.constant 0 : i32
    %dma_wait3A_58 = tpu.memref_slice %arg5[%dma_wait3A_56, %dma_wait3A_57] : memref<50x128xi32, #tpu.memory_space<vmem>> -> memref<1x128xi32, #tpu.memory_space<vmem>>
    %dma_wait3A_59 = tpu.memref_squeeze %dma_wait3A_58 : memref<1x128xi32, #tpu.memory_space<vmem>> -> memref<128xi32, #tpu.memory_space<vmem>>
    %dma_wait3A_60 = arith.constant 0 : i32
    %dma_wait3A_61 = arith.constant 0 : i32
    %dma_wait3A_62 = tpu.memref_slice %arg3[%dma_wait3A_60, %dma_wait3A_61] : memref<100000x128xf32, #tpu.memory_space<hbm>> -> memref<100000x128xf32, #tpu.memory_space<hbm>>
    tpu.wait_indirect_dma semaphore(%arg13 : memref<!tpu.dma_semaphore, #tpu.memory_space<semaphore_mem>>) src(%dma_wait3A_62 : memref<100000x128xf32, #tpu.memory_space<hbm>>) dst(%arg8 : memref<128x128xf32, #tpu.memory_space<vmem>>)
    %run_scoped3A_63 = arith.constant 47 : i32
    "tpu.region"() ({
      %run_scoped3A_80 = tpu.sem_alloc : memref<!tpu.dma_semaphore, #tpu.memory_space<semaphore_mem>>
      %dma_start3A_81 = arith.constant 0 : i32
      %dma_start3A_82 = tpu.memref_slice %arg4[%run_scoped3A_63, %mul3A_2, %dma_start3A_81] : memref<50x4096x128xf32, #tpu.memory_space<hbm>> -> memref<1x128x128xf32, #tpu.memory_space<hbm>>
      %dma_start3A_83 = tpu.memref_squeeze %dma_start3A_82 : memref<1x128x128xf32, #tpu.memory_space<hbm>> -> memref<128x128xf32, #tpu.memory_space<hbm>>
      %dma_start3A_84 = arith.constant 0 : i32
      %dma_start3A_85 = tpu.memref_slice %arg4[%run_scoped3A_63, %mul3A_2, %dma_start3A_84] : memref<50x4096x128xf32, #tpu.memory_space<hbm>> -> memref<1x128x128xf32, #tpu.memory_space<hbm>>
      %dma_start3A_86 = tpu.memref_squeeze %dma_start3A_85 : memref<1x128x128xf32, #tpu.memory_space<hbm>> -> memref<128x128xf32, #tpu.memory_space<hbm>>
      tpu.enqueue_dma source(%arg8 : memref<128x128xf32, #tpu.memory_space<vmem>>) target(%dma_start3A_86 : memref<128x128xf32, #tpu.memory_space<hbm>>) target_semaphore(%run_scoped3A_80 : memref<!tpu.dma_semaphore, #tpu.memory_space<semaphore_mem>>)
      %dma_wait3A_87 = arith.constant 0 : i32
      %dma_wait3A_88 = tpu.memref_slice %arg4[%run_scoped3A_63, %mul3A_2, %dma_wait3A_87] : memref<50x4096x128xf32, #tpu.memory_space<hbm>> -> memref<1x128x128xf32, #tpu.memory_space<hbm>>
      %dma_wait3A_89 = tpu.memref_squeeze %dma_wait3A_88 : memref<1x128x128xf32, #tpu.memory_space<hbm>> -> memref<128x128xf32, #tpu.memory_space<hbm>>
      %dma_wait3A_90 = arith.constant 0 : i32
      %dma_wait3A_91 = tpu.memref_slice %arg4[%run_scoped3A_63, %mul3A_2, %dma_wait3A_90] : memref<50x4096x128xf32, #tpu.memory_space<hbm>> -> memref<1x128x128xf32, #tpu.memory_space<hbm>>
      %dma_wait3A_92 = tpu.memref_squeeze %dma_wait3A_91 : memref<1x128x128xf32, #tpu.memory_space<hbm>> -> memref<128x128xf32, #tpu.memory_space<hbm>>
      tpu.wait_dma2 semaphore(%run_scoped3A_80 : memref<!tpu.dma_semaphore, #tpu.memory_space<semaphore_mem>>) src(%arg8 : memref<128x128xf32, #tpu.memory_space<vmem>>) dst(%dma_wait3A_92 : memref<128x128xf32, #tpu.memory_space<hbm>>)
      tpu.yield
    }) : () -> ()
    %dma_wait3A_64 = arith.constant 48 : i32
    %dma_wait3A_65 = arith.constant 0 : i32
    %dma_wait3A_66 = tpu.memref_slice %arg5[%dma_wait3A_64, %dma_wait3A_65] : memref<50x128xi32, #tpu.memory_space<vmem>> -> memref<1x128xi32, #tpu.memory_space<vmem>>
    %dma_wait3A_67 = tpu.memref_squeeze %dma_wait3A_66 : memref<1x128xi32, #tpu.memory_space<vmem>> -> memref<128xi32, #tpu.memory_space<vmem>>
    %dma_wait3A_68 = arith.constant 0 : i32
    %dma_wait3A_69 = arith.constant 0 : i32
    %dma_wait3A_70 = tpu.memref_slice %arg3[%dma_wait3A_68, %dma_wait3A_69] : memref<100000x128xf32, #tpu.memory_space<hbm>> -> memref<100000x128xf32, #tpu.memory_space<hbm>>
    tpu.wait_indirect_dma semaphore(%arg14 : memref<!tpu.dma_semaphore, #tpu.memory_space<semaphore_mem>>) src(%dma_wait3A_70 : memref<100000x128xf32, #tpu.memory_space<hbm>>) dst(%arg9 : memref<128x128xf32, #tpu.memory_space<vmem>>)
    %run_scoped3A_71 = arith.constant 48 : i32
    "tpu.region"() ({
      %run_scoped3A_80 = tpu.sem_alloc : memref<!tpu.dma_semaphore, #tpu.memory_space<semaphore_mem>>
      %dma_start3A_81 = arith.constant 0 : i32
      %dma_start3A_82 = tpu.memref_slice %arg4[%run_scoped3A_71, %mul3A_2, %dma_start3A_81] : memref<50x4096x128xf32, #tpu.memory_space<hbm>> -> memref<1x128x128xf32, #tpu.memory_space<hbm>>
      %dma_start3A_83 = tpu.memref_squeeze %dma_start3A_82 : memref<1x128x128xf32, #tpu.memory_space<hbm>> -> memref<128x128xf32, #tpu.memory_space<hbm>>
      %dma_start3A_84 = arith.constant 0 : i32
      %dma_start3A_85 = tpu.memref_slice %arg4[%run_scoped3A_71, %mul3A_2, %dma_start3A_84] : memref<50x4096x128xf32, #tpu.memory_space<hbm>> -> memref<1x128x128xf32, #tpu.memory_space<hbm>>
      %dma_start3A_86 = tpu.memref_squeeze %dma_start3A_85 : memref<1x128x128xf32, #tpu.memory_space<hbm>> -> memref<128x128xf32, #tpu.memory_space<hbm>>
      tpu.enqueue_dma source(%arg9 : memref<128x128xf32, #tpu.memory_space<vmem>>) target(%dma_start3A_86 : memref<128x128xf32, #tpu.memory_space<hbm>>) target_semaphore(%run_scoped3A_80 : memref<!tpu.dma_semaphore, #tpu.memory_space<semaphore_mem>>)
      %dma_wait3A_87 = arith.constant 0 : i32
      %dma_wait3A_88 = tpu.memref_slice %arg4[%run_scoped3A_71, %mul3A_2, %dma_wait3A_87] : memref<50x4096x128xf32, #tpu.memory_space<hbm>> -> memref<1x128x128xf32, #tpu.memory_space<hbm>>
      %dma_wait3A_89 = tpu.memref_squeeze %dma_wait3A_88 : memref<1x128x128xf32, #tpu.memory_space<hbm>> -> memref<128x128xf32, #tpu.memory_space<hbm>>
      %dma_wait3A_90 = arith.constant 0 : i32
      %dma_wait3A_91 = tpu.memref_slice %arg4[%run_scoped3A_71, %mul3A_2, %dma_wait3A_90] : memref<50x4096x128xf32, #tpu.memory_space<hbm>> -> memref<1x128x128xf32, #tpu.memory_space<hbm>>
      %dma_wait3A_92 = tpu.memref_squeeze %dma_wait3A_91 : memref<1x128x128xf32, #tpu.memory_space<hbm>> -> memref<128x128xf32, #tpu.memory_space<hbm>>
      tpu.wait_dma2 semaphore(%run_scoped3A_80 : memref<!tpu.dma_semaphore, #tpu.memory_space<semaphore_mem>>) src(%arg9 : memref<128x128xf32, #tpu.memory_space<vmem>>) dst(%dma_wait3A_92 : memref<128x128xf32, #tpu.memory_space<hbm>>)
      tpu.yield
    }) : () -> ()
    %dma_wait3A_72 = arith.constant 49 : i32
    %dma_wait3A_73 = arith.constant 0 : i32
    %dma_wait3A_74 = tpu.memref_slice %arg5[%dma_wait3A_72, %dma_wait3A_73] : memref<50x128xi32, #tpu.memory_space<vmem>> -> memref<1x128xi32, #tpu.memory_space<vmem>>
    %dma_wait3A_75 = tpu.memref_squeeze %dma_wait3A_74 : memref<1x128xi32, #tpu.memory_space<vmem>> -> memref<128xi32, #tpu.memory_space<vmem>>
    %dma_wait3A_76 = arith.constant 0 : i32
    %dma_wait3A_77 = arith.constant 0 : i32
    %dma_wait3A_78 = tpu.memref_slice %arg3[%dma_wait3A_76, %dma_wait3A_77] : memref<100000x128xf32, #tpu.memory_space<hbm>> -> memref<100000x128xf32, #tpu.memory_space<hbm>>
    tpu.wait_indirect_dma semaphore(%arg15 : memref<!tpu.dma_semaphore, #tpu.memory_space<semaphore_mem>>) src(%dma_wait3A_78 : memref<100000x128xf32, #tpu.memory_space<hbm>>) dst(%arg10 : memref<128x128xf32, #tpu.memory_space<vmem>>)
    %run_scoped3A_79 = arith.constant 49 : i32
    "tpu.region"() ({
      %run_scoped3A_80 = tpu.sem_alloc : memref<!tpu.dma_semaphore, #tpu.memory_space<semaphore_mem>>
      %dma_start3A_81 = arith.constant 0 : i32
      %dma_start3A_82 = tpu.memref_slice %arg4[%run_scoped3A_79, %mul3A_2, %dma_start3A_81] : memref<50x4096x128xf32, #tpu.memory_space<hbm>> -> memref<1x128x128xf32, #tpu.memory_space<hbm>>
      %dma_start3A_83 = tpu.memref_squeeze %dma_start3A_82 : memref<1x128x128xf32, #tpu.memory_space<hbm>> -> memref<128x128xf32, #tpu.memory_space<hbm>>
      %dma_start3A_84 = arith.constant 0 : i32
      %dma_start3A_85 = tpu.memref_slice %arg4[%run_scoped3A_79, %mul3A_2, %dma_start3A_84] : memref<50x4096x128xf32, #tpu.memory_space<hbm>> -> memref<1x128x128xf32, #tpu.memory_space<hbm>>
      %dma_start3A_86 = tpu.memref_squeeze %dma_start3A_85 : memref<1x128x128xf32, #tpu.memory_space<hbm>> -> memref<128x128xf32, #tpu.memory_space<hbm>>
      tpu.enqueue_dma source(%arg10 : memref<128x128xf32, #tpu.memory_space<vmem>>) target(%dma_start3A_86 : memref<128x128xf32, #tpu.memory_space<hbm>>) target_semaphore(%run_scoped3A_80 : memref<!tpu.dma_semaphore, #tpu.memory_space<semaphore_mem>>)
      %dma_wait3A_87 = arith.constant 0 : i32
      %dma_wait3A_88 = tpu.memref_slice %arg4[%run_scoped3A_79, %mul3A_2, %dma_wait3A_87] : memref<50x4096x128xf32, #tpu.memory_space<hbm>> -> memref<1x128x128xf32, #tpu.memory_space<hbm>>
      %dma_wait3A_89 = tpu.memref_squeeze %dma_wait3A_88 : memref<1x128x128xf32, #tpu.memory_space<hbm>> -> memref<128x128xf32, #tpu.memory_space<hbm>>
      %dma_wait3A_90 = arith.constant 0 : i32
      %dma_wait3A_91 = tpu.memref_slice %arg4[%run_scoped3A_79, %mul3A_2, %dma_wait3A_90] : memref<50x4096x128xf32, #tpu.memory_space<hbm>> -> memref<1x128x128xf32, #tpu.memory_space<hbm>>
      %dma_wait3A_92 = tpu.memref_squeeze %dma_wait3A_91 : memref<1x128x128xf32, #tpu.memory_space<hbm>> -> memref<128x128xf32, #tpu.memory_space<hbm>>
      tpu.wait_dma2 semaphore(%run_scoped3A_80 : memref<!tpu.dma_semaphore, #tpu.memory_space<semaphore_mem>>) src(%arg10 : memref<128x128xf32, #tpu.memory_space<vmem>>) dst(%dma_wait3A_92 : memref<128x128xf32, #tpu.memory_space<hbm>>)
      tpu.yield
    }) : () -> ()
    return
  }
}

</mosaic_0001>

<sc_bundles>
// kernel: kernel.3.cloned.1.call-start
scs
__scs_entry_jumppad:
0x0: {  	(pc) =	sbr.rel $0x88, $3  }
0x1: {  	(tag) =	ssettag $0x0;
	lr =	simm.s32 $0x1  }
0x2: {  	[smem:$0x3F9F] =	sst lr;
	_ =	strace $0xD0000000  }
0x3: {  	_ = 	snop  }
0x4: {  	_ = 	snop  }
0x5: {  	_ = 	snop  }
0x6: {  	_ = 	snop  }
0x7: {  	_ = 	snop  }
__scs_overlays_trampoline_lowered:
0x8: {  	[smem:$0x3FAE] =	sst s0  }
0x9: {  	[smem:$0x3FAF] =	sst s1  }
0xa: {  	[smem:$0x3FB0] =	sst s2  }
0xb: {  	[smem:$0x3FB1] =	sst s3  }
0xc: {  	[smem:$0x3FB2] =	sst s4  }
0xd: {  	[smem:$0x3FB3] =	sst s5  }
0xe: {  	[smem:$0x3FB4] =	sst s6  }
0xf: {  	[smem:$0x3FB5] =	sst s7  }
0x10: {  	[smem:$0x3FB6] =	sst s8  }
0x11: {  	[smem:$0x3FB7] =	sst s9;
	s0 =	simm.s32 @!p0 $0x0  }
0x12: {  	s1 =	sld [smem:$0x3F9D];
	s0 =	simm.s32 @p0 $0x1  }
0x13: {  	[smem:$0x3FB8] =	sst s0;
	s0 =	simm.s32 @!p1 $0x0  }
0x14: {  	s2 =	sld [smem:$0x3F9C];
	s0 =	simm.s32 @p1 $0x1  }
0x15: {  	[smem:$0x3FB9] =	sst s0;
	s0 =	simm.s32 @!p2 $0x0  }
0x16: {  	s3 =	sld [smem:$0x3FDB];
	s0 =	simm.s32 @p2 $0x1  }
0x17: {  	s4 =	simm.s32 $0x1BF5;
	[smem:$0x3FBB] =	sst s0  }
0x18: {  	s0 =	sld [smem:$0x3F9E];
	_ =	swait.ge [sflag:s4], $0x0  }
0x19: {  	s7 =	sld [smem:$0x3F9F]  }
0x1a: {  	s8 =	sadd.s32 $0xFFFFE003, lr  }
0x1b: {  	s9 =	sadd.s32 $0xFFFFFEF7, lr;
	s5 =	simm.s32 $0xFFFFFFFF;
	p2 =	slt.u32 s8, $0xFFFFF086  }
0x1c: {  	p1 =	slt.u32 s9, $0xF7A;
	s5 =	simm.s32 @!p2 $0x0  }
0x1d: {  	s5 =	simm.s32 @p1 $0x1;
	p0 =	seq.s32 s7, s2  }
0x1e: {  	s7 =	smul.u32 @!p0 $0xF7A, s2;
	p2 =	seq.s32 @!p0 s5, $0x0  }
0x1f: {  	s9 =	smul.u32 $0xF7A, s1;
	s8 =	simm.s32 @!p0 $0x1BF5;
	p2 =	por !p2, p0  }
0x20: {  	[sflag:s8] =	ssyncset.s32 @!p0 $0xFFFFF086;
	s6 =	sadd.s32 @!p0 s3, s7;
	s7 =	simm.s32 @!p0 $0x108  }
0x21: {  	s3 =	sadd.s32 s3, s9;
	s6 =	sadd.s32 @!p0 $0x88, s6;
	s7 =	simm.s32 @p2 $0x1082  }
0x22: {  	[simem:s7], [sflag:s8] =	dma.local @!p0 [hbm:s6], $0xF7A  }
0x23: {  	s9 =	sor.u32 $0xD0000000, s2;
	s6 =	simm.s32 $0x108;
	_ =	swait.ge @!p0 [sflag:s8], $0x0  }
0x24: {  	s3 =	sadd.s32 $0x88, s3;
	s6 =	simm.s32 @!p1 $0x1082;
	[sflag:s4] =	ssyncset.s32 $0xFFFFF086  }
0x25: {  	[simem:s6], [sflag:s4] =	dma.local [hbm:s3], $0xF7A  }
0x26: {  	[smem:$0x3F9F] =	sst s1;
	(tag) =	ssettag s2;
	_ =	strace s9  }
0x27: {  	s1 =	sld [smem:$0x3FAF]  }
0x28: {  	s2 =	sld [smem:$0x3FB0]  }
0x29: {  	s4 =	sld [smem:$0x3FB2]  }
0x2a: {  	p0 =	seq.s32 s5, $0x0;
	s5 =	sld [smem:$0x3FB3]  }
0x2b: {  	s6 =	sld [smem:$0x3FB4]  }
0x2c: {  	s7 =	sld [smem:$0x3FB5]  }
0x2d: {  	s3 =	simm.s32 $0x108;
	s8 =	sld [smem:$0x3FB6]  }
0x2e: {  	s3 =	simm.s32 @!p0 $0x1082;
	s9 =	sld [smem:$0x3FB7]  }
0x2f: {  	lr =	sadd.s32 s0, s3;
	s0 =	sld [smem:$0x3FAE]  }
0x30: {  	s3 =	sld [smem:$0x3FB1]  }
0x31: {  	[smem:$0x3FBA] =	sst s10  }
0x32: {  	s10 =	sld [smem:$0x3FB8];
	_ =	sdelay $0x3  }
0x33: {  	p0 =	seq.s32 s10, $0x1;
	s10 =	sld [smem:$0x3FBA];
	_ =	sdelay $0x3  }
0x34: {  	[smem:$0x3FBA] =	sst s10  }
0x35: {  	s10 =	sld [smem:$0x3FB9];
	_ =	sdelay $0x3  }
0x36: {  	p1 =	seq.s32 s10, $0x1;
	s10 =	sld [smem:$0x3FBA];
	_ =	sdelay $0x3  }
0x37: {  	[smem:$0x3FBA] =	sst s10  }
0x38: {  	s10 =	sld [smem:$0x3FBB]  }
0x39: {  	_ = 	snop;
	(pc) =	sbr.ind lr, $3  }
0x3a: {  	_ = 	snop  }
0x3b: {  	_ = 	snop  }
0x3c: {  	p2 =	seq.s32 s10, $0x1;
	s10 =	sld [smem:$0x3FBA]  }
0x3d: {  	_ =	shalt  }
0x3e: {  	_ =	shalt  }
0x3f: {  	_ =	shalt  }
0x40: {  	_ =	shalt  }
0x41: {  	_ =	shalt  }
0x42: {  	_ =	shalt  }
0x43: {  	_ =	shalt  }
0x44: {  	_ =	shalt  }
0x45: {  	_ =	shalt  }
0x46: {  	_ =	shalt  }
0x47: {  	_ =	shalt  }
0x48: {  	_ =	shalt  }
0x49: {  	_ =	shalt  }
0x4a: {  	_ =	shalt  }
0x4b: {  	_ =	shalt  }
0x4c: {  	_ =	shalt  }
0x4d: {  	_ =	shalt  }
0x4e: {  	_ =	shalt  }
0x4f: {  	_ =	shalt  }
0x50: {  	_ =	shalt  }
0x51: {  	_ =	shalt  }
0x52: {  	_ =	shalt  }
0x53: {  	_ =	shalt  }
0x54: {  	_ =	shalt  }
0x55: {  	_ =	shalt  }
0x56: {  	_ =	shalt  }
0x57: {  	_ =	shalt  }
0x58: {  	_ =	shalt  }
0x59: {  	_ =	shalt  }
0x5a: {  	_ =	shalt  }
0x5b: {  	_ =	shalt  }
0x5c: {  	_ =	shalt  }
0x5d: {  	_ =	shalt  }
0x5e: {  	_ =	shalt  }
0x5f: {  	_ =	shalt  }
0x60: {  	_ =	shalt  }
0x61: {  	_ =	shalt  }
0x62: {  	_ =	shalt  }
0x63: {  	_ =	shalt  }
0x64: {  	_ =	shalt  }
0x65: {  	_ =	shalt  }
0x66: {  	_ =	shalt  }
0x67: {  	_ =	shalt  }
0x68: {  	_ =	shalt  }
0x69: {  	_ =	shalt  }
0x6a: {  	_ =	shalt  }
0x6b: {  	_ =	shalt  }
0x6c: {  	_ =	shalt  }
0x6d: {  	_ =	shalt  }
0x6e: {  	_ =	shalt  }
0x6f: {  	_ =	shalt  }
0x70: {  	_ =	shalt  }
0x71: {  	_ =	shalt  }
0x72: {  	_ =	shalt  }
0x73: {  	_ =	shalt  }
0x74: {  	_ =	shalt  }
0x75: {  	_ =	shalt  }
0x76: {  	_ =	shalt  }
0x77: {  	_ =	shalt  }
0x78: {  	_ =	shalt  }
0x79: {  	_ =	shalt  }
0x7a: {  	_ =	shalt  }
0x7b: {  	_ =	shalt  }
0x7c: {  	_ =	shalt  }
0x7d: {  	_ =	shalt  }
0x7e: {  	_ =	shalt  }
0x7f: {  	_ =	shalt  }
0x80: {  	_ =	shalt  }
0x81: {  	_ =	shalt  }
0x82: {  	_ =	shalt  }
0x83: {  	_ =	shalt  }
0x84: {  	_ =	shalt  }
0x85: {  	_ =	shalt  }
0x86: {  	_ =	shalt  }
0x87: {  	_ =	shalt  }
.Lfunc_end0:
.L_simem_size_0:
called_computation_lowered:
.L_overlay_start_0:
0x88: {  	s2 =	sld [smem:$0x3FD9]  }
0x89: {  	s3 =	sld [smem:$0x3FFE];
	_ =	sdelay $0x1  }
0x8a: {  	s1 =	srdreg.scid  }
0x8b: {  	s0 =	sand.u32 $0x1, s1  }
0x8c: {  	s18 =	sshll.u32 s0, $0xA;
	s2 =	sadd.s32 s3, s2  }
0x8d: {  	s2 =	sadd.s32 s2, s18  }
0x8e: {  	[smem:$0x3FC6] =	sst s2  }
0x8f: {  	_ = 	snop  }
0x90: {  	s2 =	sld [smem:$0x3FC9]  }
0x91: {  	s19 =	sld [smem:$0x3FC8]  }
0x92: {  	s4 =	sld [smem:$0x3FD0];
	(tm) =	ssettm $0x1  }
0x93: {  	s5 =	sld [smem:$0x3FFB];
	_ =	sdelay $0x3  }
0x94: {  	_ =	strace s5  }
0x95: {  	s5 =	sld [smem:$0x3FFC];
	_ =	sdelay $0x3  }
0x96: {  	_ =	strace s5  }
0x97: {  	s5 =	sld [smem:$0x3FFD];
	_ =	sdelay $0x3  }
0x98: {  	_ =	strace s5  }
0x99: {  	_ =	strace $0x8FFFFFFF  }
0x9a: {  	s20 =	sld [smem:$0x3FDB];
	_ =	sdelay $0x1  }
0x9b: {  	s6 =	simm.s32 $_scs_section_size  }
0x9c: {  	s7 =	simm.s32 $_size__tile_overlayer_lowered;
	s8 =	simm.s32 $_tile_overlayer_lowered  }
0x9d: {  	s23 =	simm.s32 $0x1BFF;
	s22 =	sshll.u32 s8, $0x1;
	s5 =	sadd.s32 s6, s20  }
0x9e: {  	s9 =	simm.s32 $0x0;
	s21 =	sshll.u32 s7, $0x1;
	s7 =	sadd.s32 s22, s5  }
0x9f: {  	[timem:s9], [sflag:s23] =	dma.local [hbm:s7], s21  }
0xa0: {  	_ =	swait.ge [sflag:s23], s21  }
0xa1: {  	s6 =	ssub.s32 $0x0, s21;
	[sflag:s23] =	ssyncset.done $0x0  }
0xa2: {  	[sflag:s23] =	ssyncadd.s32 s6;
	_ =	sdelay $0x1  }
0xa3: {  	s24 =	simm.s32 $0x1B8B  }
0xa4: {  	_ =	swait.ge [sflag:s24], $0x1  }
0xa5: {  	[sflag:s24] =	ssyncset.done $0x0  }
0xa6: {  	s25 =	simm.s32 $0x1B8E;
	[sflag:s24] =	ssyncadd.s32 $0xFFFFFFFF  }
0xa7: {  	s26 =	simm.s32 $execute0_lowered;
	[smem:$0x3FD2] =	sst s25  }
0xa8: {  	s6 =	sshll.u32 s26, $0x1;
	_ =	strace $0x80000046;
	[dreg:$0x1] =	wrdreg $0xFFFFFFFF  }
0xa9: {  	s28 =	simm.s32 $_size_execute0_lowered;
	s5 =	sadd.s32 s5, s6;
	[dreg:$0x0] =	wrdreg $0x0  }
0xaa: {  	s6 =	sshll.u32 s28, $0x1;
	[dreg:$0x2] =	wrdreg s5  }
0xab: {  	[dreg:$0x3] =	wrdreg s6  }
0xac: {  	[dreg:$0x4] =	wrdreg $0xC0  }
0xad: {  	_ =	task [dreg:s9], $0x5FFFF  }
0xae: {  	[dreg:$0x1] =	wrdreg $0xFFFFFFFF  }
0xaf: {  	[dreg:$0x0] =	wrdreg $0x60  }
0xb0: {  	[dreg:$0x2] =	wrdreg s2  }
0xb1: {  	[dreg:$0x3] =	wrdreg s19  }
0xb2: {  	[dreg:$0x4] =	wrdreg s4  }
0xb3: {  	[dreg:$0x5] =	wrdreg $0x9  }
0xb4: {  	_ =	task.clear_ibuf [dreg:s9], $0x6FFFF;
	_ =	strace $0x90000046  }
0xb5: {  	s29 =	simm.s32 $0x9;
	_ =	strace $0x80000048  }
0xb6: {  	_ =	swait.ge [sflag:s29], $0x1  }
0xb7: {  	[sflag:s29] =	ssyncadd.s32 $0xFFFFFFFF  }
0xb8: {  	_ =	strace $0x90000048  }
0xb9: {  	_ =	sfence  }
0xba: {  	s30 =	sld [smem:$0x0];
	_ =	sdelay $0x2  }
0xbb: {  	s31 =	sshll.u32 s1, $0xD;
	s1 =	sshrl.u32 s1, $0x2  }
0xbc: {  	s3 =	sand.u32 $0x4000, s31;
	s1 =	sadd.s32 s1, s30  }
0xbd: {  	s0 =	sor.u32 s3, s0;
	s1 =	sshll.u32 s1, $0x11  }
0xbe: {  	s0 =	sor.u32 s1, s0  }
0xbf: {  	s0 =	sadd.s32 $0x8F2B, s0  }
0xc0: {  	[sflag:s0] =	ssyncadd.remote.s32 $0x1  }
0xc1: {  	_ =	sfence.sel $0xFFFF  }
0xc2: {  	[dreg:$0x0] =	wrdreg $0xFFFFFFFF;
	(pc) =	sbr.abs _section_cstart, $3  }
0xc3: {  	[dreg:$0x1] =	wrdreg $0xFFFFFFFF  }
0xc4: {  	_ =	task.clear_ibuf [dreg:s9], $0x2FFFF;
	_ =	strace $0x9FFFFFFF  }
0xc5: {  	(tm) =	ssettm $0x7FFFFFFF  }
tec
execute0_lowered:
.L_overlay_start_1:
0x0: {  	(tag) =	ssettag $0x1  }
0x1: {  	s0 =	rddreg [dreg:$0x0]  }
0x2: {  	s1 =	rddreg [dreg:$0x1]  }
0x3: {  	s2 =	rddreg [dreg:$0x2]  }
0x4: {  	s4 =	srdreg.scid;
	s3 =	simm.s32 $0x0;
	s8 =	stileid.u32  }
0x5: {  	s28 =	simm.s32 $0xDC00;
	s30 =	simm.s32 $0x11C00;
	s31 =	simm.s32 $0x1  }
0x6: {  	s4 =	sand.u32 $0x1, s4;
	[smem:$0x7FF] =	sst s3;
	s5 =	sshll.u32 s8, $0x8  }
0x7: {  	s18 =	sshll.u32 s8, $0xF;
	s6 =	sshll.u32 s4, $0x7;
	_ =	strace $0x80000047  }
0x8: {  	s7 =	ssub.s32 $0x2, s4;
	s4 =	sshll.u32 s4, $0xE;
	s5 =	sor.u32 s6, s5  }
0x9: {  	s13 =	sshrl.u32 s7, $0x1;
	s4 =	sor.u32 s4, s18;
	s18 =	simm.s32 $0x5  }
0xa: {  	s9 =	sadd.s32 s0, s5;
	s14 =	sshll.u32 s5, $0x4;
	s15 =	ssub.s32 s7, s13  }
0xb: {  	s21 =	sor.u32 $0x200000, s4;
	s22 =	sor.u32 $0x180000, s4;
	s24 =	sor.u32 $0x100000, s4  }
0xc: {  	s26 =	sor.u32 $0x80000, s4;
	s4 =	sshrl.u32 s4, $0x3;
	[dreg:$0x4] =	wrdreg s9  }
0xd: {  	s16 =	sadd.s32 $0x6000, s9;
	s0 =	sadd.s32 s14, s2;
	s11 =	smax.u32 s15, $0x1  }
0xe: {  	s23 =	sshrl.u32 s22, $0x3;
	s25 =	sshrl.u32 s24, $0x3;
	s29 =	sshrl.u32 s26, $0x3  }
0xf: {  	s22 =	simm.s32 $0x1C00;
	[dreg:$0x5] =	wrdreg s16;
	s17 =	sadd.s32 $0x2D0000, s0  }
0x10: {  	s19 =	sadd.s32 $0x2E0000, s0;
	s20 =	sadd.s32 $0x2F0000, s0;
	s9 =	sadd.s32 $0x300000, s0  }
0x11: {  	s10 =	sadd.s32 $0x310000, s0;
	s0 =	sshrl.u32 s21, $0x3;
	s13 =	sadd.s32 s23, s2  }
0x12: {  	s14 =	sadd.s32 s25, s2;
	s15 =	sadd.s32 s29, s2;
	[dreg:$0x6] =	wrdreg s17  }
0x13: {  	s16 =	sadd.s32 s4, s2;
	s21 =	simm.s32 $0x80;
	[dreg:$0x7] =	wrdreg s19  }
0x14: {  	s23 =	simm.s32 $0x5C00;
	s25 =	simm.s32 $0x9C00;
	[dreg:$0x8] =	wrdreg s20  }
0x15: {  	s12 =	sadd.s32 s0, s2;
	s20 =	simm.s32 $0x6;
	s0 =	simm.s32 $0x2  }
0x16: {  	s2 =	simm.s32 $0x3;
	s17 =	simm.s32 $0x4;
	s19 =	simm.s32 $0x0  }
.LBB2_1:
0x17: {  	s4 =	rddreg [dreg:$0x4];
	s5 =	simm.s32 $0x400;
	s6 =	simm.s32 $0x8000  }
0x18: {  	[tilespmem:s3], [sflag:$0x6] =	stream.strided.gather [hbm4b:s4+s5], $0x1800, s6, s5, $0x38;
	[tilespmem:$0x15C00] =	vst v63  }
0x19: {  	s8 =	rddreg [dreg:$0x5];
	s24 =	simm.s32 $0x1800  }
0x1a: {  	[tilespmem:s24], [sflag:$0x6] =	stream.linear.gather [hbm4b:s8+s3], $0x100, $0x38;
	[tilespmem:$0x15C00] =	vst v63  }
0x1b: {  	_ =	swait.ge [sflag:s20], $0x1900  }
0x1c: {  	[sflag:s20] =	ssyncset.done $0x0  }
0x1d: {  	[sflag:s20] =	ssyncadd.s32 $0xFFFFE700  }
0x1e: {  	[tilespmem:s22], [sflag:$0x1] =	stream.indirect.gather [hbm4b:s1+s21], $0x80, s3, s21, $0xb8;
	[tilespmem:$0x15C00] =	vst v63  }
0x1f: {  	_ = 	snop  }
0x20: {  	[tilespmem:s23], [sflag:$0x2] =	stream.indirect.gather [hbm4b:s1+s21], $0x80, s21, s21, $0xb8;
	[tilespmem:$0x15C00] =	vst v63  }
0x21: {  	s26 =	simm.s32 $0x100  }
0x22: {  	[tilespmem:s25], [sflag:$0x3] =	stream.indirect.gather [hbm4b:s1+s21], $0x80, s26, s21, $0xb8;
	[tilespmem:$0x15C00] =	vst v63  }
0x23: {  	s5 =	simm.s32 $0x180  }
0x24: {  	[tilespmem:s28], [sflag:$0x4] =	stream.indirect.gather [hbm4b:s1+s21], $0x80, s5, s21, $0xb8;
	[tilespmem:$0x15C00] =	vst v63  }
0x25: {  	s6 =	simm.s32 $0x200  }
0x26: {  	[tilespmem:s30], [sflag:$0x5] =	stream.indirect.gather [hbm4b:s1+s21], $0x80, s6, s21, $0xb8;
	[tilespmem:$0x15C00] =	vst v63  }
0x27: {  	_ =	swait.ge [sflag:s31], $0x4000  }
0x28: {  	[sflag:s31] =	ssyncset.done $0x0  }
0x29: {  	[sflag:s31] =	ssyncadd.s32 $0xFFFFC000  }
0x2a: {  	[hbm4b:s16+s3] =	stream.linear.scatter [tilespmem:s22], [sflag:$0x6], $0x4000, $0x38;
	[tilespmem:$0x15C00] =	vst v63  }
0x2b: {  	_ =	swait.ge [sflag:s20], $0x4000  }
0x2c: {  	[sflag:s20] =	ssyncset.done $0x0  }
0x2d: {  	s7 =	simm.s32 $0x280;
	[sflag:s20] =	ssyncadd.s32 $0xFFFFC000  }
0x2e: {  	[tilespmem:s22], [sflag:$0x1] =	stream.indirect.gather [hbm4b:s1+s21], $0x80, s7, s21, $0xb8;
	[tilespmem:$0x15C00] =	vst v63  }
0x2f: {  	_ =	swait.ge [sflag:s0], $0x4000  }
0x30: {  	[sflag:s0] =	ssyncset.done $0x0  }
0x31: {  	[sflag:s0] =	ssyncadd.s32 $0xFFFFC000  }
0x32: {  	[hbm4b:s15+s3] =	stream.linear.scatter [tilespmem:s23], [sflag:$0x6], $0x4000, $0x38;
	[tilespmem:$0x15C00] =	vst v63  }
0x33: {  	_ =	swait.ge [sflag:s20], $0x4000  }
0x34: {  	[sflag:s20] =	ssyncset.done $0x0  }
0x35: {  	s8 =	simm.s32 $0x300;
	[sflag:s20] =	ssyncadd.s32 $0xFFFFC000  }
0x36: {  	[tilespmem:s23], [sflag:$0x2] =	stream.indirect.gather [hbm4b:s1+s21], $0x80, s8, s21, $0xb8;
	[tilespmem:$0x15C00] =	vst v63  }
0x37: {  	_ =	swait.ge [sflag:s2], $0x4000  }
0x38: {  	[sflag:s2] =	ssyncset.done $0x0  }
0x39: {  	[sflag:s2] =	ssyncadd.s32 $0xFFFFC000  }
0x3a: {  	[hbm4b:s14+s3] =	stream.linear.scatter [tilespmem:s25], [sflag:$0x6], $0x4000, $0x38;
	[tilespmem:$0x15C00] =	vst v63  }
0x3b: {  	_ =	swait.ge [sflag:s20], $0x4000  }
0x3c: {  	[sflag:s20] =	ssyncset.done $0x0  }
0x3d: {  	s24 =	simm.s32 $0x380;
	[sflag:s20] =	ssyncadd.s32 $0xFFFFC000  }
0x3e: {  	[tilespmem:s25], [sflag:$0x3] =	stream.indirect.gather [hbm4b:s1+s21], $0x80, s24, s21, $0xb8;
	[tilespmem:$0x15C00] =	vst v63  }
0x3f: {  	_ =	swait.ge [sflag:s17], $0x4000  }
0x40: {  	[sflag:s17] =	ssyncset.done $0x0  }
0x41: {  	[sflag:s17] =	ssyncadd.s32 $0xFFFFC000  }
0x42: {  	[hbm4b:s13+s3] =	stream.linear.scatter [tilespmem:s28], [sflag:$0x6], $0x4000, $0x38;
	[tilespmem:$0x15C00] =	vst v63  }
0x43: {  	_ =	swait.ge [sflag:s20], $0x4000  }
0x44: {  	[sflag:s20] =	ssyncset.done $0x0  }
0x45: {  	s26 =	simm.s32 $0x400;
	[sflag:s20] =	ssyncadd.s32 $0xFFFFC000  }
0x46: {  	[tilespmem:s28], [sflag:$0x4] =	stream.indirect.gather [hbm4b:s1+s21], $0x80, s26, s21, $0xb8;
	[tilespmem:$0x15C00] =	vst v63  }
0x47: {  	_ =	swait.ge [sflag:s18], $0x4000  }
0x48: {  	[sflag:s18] =	ssyncset.done $0x0  }
0x49: {  	s29 =	sadd.s32 $0x50000, s16;
	[sflag:s18] =	ssyncadd.s32 $0xFFFFC000  }
0x4a: {  	[hbm4b:s12+s3] =	stream.linear.scatter [tilespmem:s30], [sflag:$0x6], $0x4000, $0x38;
	[tilespmem:$0x15C00] =	vst v63  }
0x4b: {  	s4 =	sadd.s32 $0x50000, s12;
	s5 =	sadd.s32 $0x50000, s13;
	_ =	swait.ge [sflag:s20], $0x4000  }
0x4c: {  	s6 =	sadd.s32 $0x50000, s14;
	s7 =	simm.s32 $0x480;
	[sflag:s20] =	ssyncset.done $0x0  }
0x4d: {  	s24 =	simm.s32 $0xA00;
	s26 =	sadd.s32 $0x50000, s15;
	[sflag:s20] =	ssyncadd.s32 $0xFFFFC000  }
.LBB2_2:
0x4e: {  	[tilespmem:s30], [sflag:$0x5] =	stream.indirect.gather [hbm4b:s1+s21], $0x80, s7, s21, $0xb8;
	[tilespmem:$0x15C00] =	vst v63  }
0x4f: {  	s7 =	smov.u32 s24  }
0x50: {  	p0 =	sne.s32 s24, $0x5000;
	s24 =	sadd.s32 $0xA00, s24;
	_ =	swait.ge [sflag:s31], $0x4000  }
0x51: {  	[sflag:s31] =	ssyncset.done $0x0  }
0x52: {  	[sflag:s31] =	ssyncadd.s32 $0xFFFFC000  }
0x53: {  	[hbm4b:s29+s3] =	stream.linear.scatter [tilespmem:s22], [sflag:$0x6], $0x4000, $0x38;
	[tilespmem:$0x15C00] =	vst v63  }
0x54: {  	_ =	swait.ge [sflag:s20], $0x4000  }
0x55: {  	s7 =	sshra.s32 s7, $0x2;
	[sflag:s20] =	ssyncset.done $0x0  }
0x56: {  	s8 =	sadd.s32 $0x280, s7;
	[sflag:s20] =	ssyncadd.s32 $0xFFFFC000  }
0x57: {  	[tilespmem:s22], [sflag:$0x1] =	stream.indirect.gather [hbm4b:s1+s21], $0x80, s8, s21, $0xb8;
	[tilespmem:$0x15C00] =	vst v63  }
0x58: {  	_ =	swait.ge [sflag:s0], $0x4000  }
0x59: {  	[sflag:s0] =	ssyncset.done $0x0  }
0x5a: {  	[sflag:s0] =	ssyncadd.s32 $0xFFFFC000  }
0x5b: {  	[hbm4b:s26+s3] =	stream.linear.scatter [tilespmem:s23], [sflag:$0x6], $0x4000, $0x38;
	[tilespmem:$0x15C00] =	vst v63  }
0x5c: {  	_ =	swait.ge [sflag:s20], $0x4000  }
0x5d: {  	[sflag:s20] =	ssyncset.done $0x0  }
0x5e: {  	s8 =	sadd.s32 $0x300, s7;
	[sflag:s20] =	ssyncadd.s32 $0xFFFFC000  }
0x5f: {  	[tilespmem:s23], [sflag:$0x2] =	stream.indirect.gather [hbm4b:s1+s21], $0x80, s8, s21, $0xb8;
	[tilespmem:$0x15C00] =	vst v63  }
0x60: {  	_ =	swait.ge [sflag:s2], $0x4000  }
0x61: {  	[sflag:s2] =	ssyncset.done $0x0  }
0x62: {  	[sflag:s2] =	ssyncadd.s32 $0xFFFFC000  }
0x63: {  	[hbm4b:s6+s3] =	stream.linear.scatter [tilespmem:s25], [sflag:$0x6], $0x4000, $0x38;
	[tilespmem:$0x15C00] =	vst v63  }
0x64: {  	_ =	swait.ge [sflag:s20], $0x4000  }
0x65: {  	[sflag:s20] =	ssyncset.done $0x0  }
0x66: {  	s8 =	sadd.s32 $0x380, s7;
	[sflag:s20] =	ssyncadd.s32 $0xFFFFC000  }
0x67: {  	[tilespmem:s25], [sflag:$0x3] =	stream.indirect.gather [hbm4b:s1+s21], $0x80, s8, s21, $0xb8;
	[tilespmem:$0x15C00] =	vst v63  }
0x68: {  	_ =	swait.ge [sflag:s17], $0x4000  }
0x69: {  	[sflag:s17] =	ssyncset.done $0x0  }
0x6a: {  	[sflag:s17] =	ssyncadd.s32 $0xFFFFC000  }
0x6b: {  	[hbm4b:s5+s3] =	stream.linear.scatter [tilespmem:s28], [sflag:$0x6], $0x4000, $0x38;
	[tilespmem:$0x15C00] =	vst v63  }
0x6c: {  	_ =	swait.ge [sflag:s20], $0x4000  }
0x6d: {  	[sflag:s20] =	ssyncset.done $0x0  }
0x6e: {  	s8 =	sadd.s32 $0x400, s7;
	[sflag:s20] =	ssyncadd.s32 $0xFFFFC000  }
0x6f: {  	[tilespmem:s28], [sflag:$0x4] =	stream.indirect.gather [hbm4b:s1+s21], $0x80, s8, s21, $0xb8;
	[tilespmem:$0x15C00] =	vst v63  }
0x70: {  	_ =	swait.ge [sflag:s18], $0x4000  }
0x71: {  	[sflag:s18] =	ssyncset.done $0x0  }
.Ltmp0:
0x72: {  	[sflag:s18] =	ssyncadd.s32 $0xFFFFC000;
	(pc) =	sbr.rel @p0 .LBB2_2-.Ltmp0, $4  }
0x73: {  	[hbm4b:s4+s3] =	stream.linear.scatter [tilespmem:s30], [sflag:$0x6], $0x4000, $0x38;
	[tilespmem:$0x15C00] =	vst v63  }
0x74: {  	s29 =	sadd.s32 $0x50000, s29;
	s26 =	sadd.s32 $0x50000, s26;
	_ =	swait.ge [sflag:s20], $0x4000  }
0x75: {  	s6 =	sadd.s32 $0x50000, s6;
	s5 =	sadd.s32 $0x50000, s5;
	[sflag:s20] =	ssyncset.done $0x0  }
0x76: {  	s7 =	sadd.s32 $0x480, s7;
	s4 =	sadd.s32 $0x50000, s4;
	[sflag:s20] =	ssyncadd.s32 $0xFFFFC000  }
0x77: {  	[tilespmem:s30], [sflag:$0x5] =	stream.indirect.gather [hbm4b:s1+s21], $0x80, s7, s21, $0xb8;
	[tilespmem:$0x15C00] =	vst v63  }
0x78: {  	_ =	swait.ge [sflag:s31], $0x4000  }
0x79: {  	[sflag:s31] =	ssyncset.done $0x0  }
0x7a: {  	s4 =	rddreg [dreg:$0x6];
	[sflag:s31] =	ssyncadd.s32 $0xFFFFC000  }
0x7b: {  	[hbm4b:s4+s3] =	stream.linear.scatter [tilespmem:s22], [sflag:$0x6], $0x4000, $0x38;
	[tilespmem:$0x15C00] =	vst v63  }
0x7c: {  	_ =	swait.ge [sflag:s20], $0x4000  }
0x7d: {  	[sflag:s20] =	ssyncset.done $0x0  }
0x7e: {  	[sflag:s20] =	ssyncadd.s32 $0xFFFFC000  }
0x7f: {  	_ =	swait.ge [sflag:s0], $0x4000  }
0x80: {  	[sflag:s0] =	ssyncset.done $0x0  }
0x81: {  	s26 =	rddreg [dreg:$0x7];
	[sflag:s0] =	ssyncadd.s32 $0xFFFFC000  }
0x82: {  	[hbm4b:s26+s3] =	stream.linear.scatter [tilespmem:s23], [sflag:$0x6], $0x4000, $0x38;
	[tilespmem:$0x15C00] =	vst v63  }
0x83: {  	_ =	swait.ge [sflag:s20], $0x4000  }
0x84: {  	[sflag:s20] =	ssyncset.done $0x0  }
0x85: {  	[sflag:s20] =	ssyncadd.s32 $0xFFFFC000  }
0x86: {  	_ =	swait.ge [sflag:s2], $0x4000  }
0x87: {  	[sflag:s2] =	ssyncset.done $0x0  }
0x88: {  	s29 =	rddreg [dreg:$0x8];
	[sflag:s2] =	ssyncadd.s32 $0xFFFFC000  }
0x89: {  	[hbm4b:s29+s3] =	stream.linear.scatter [tilespmem:s25], [sflag:$0x6], $0x4000, $0x38;
	[tilespmem:$0x15C00] =	vst v63  }
0x8a: {  	_ =	swait.ge [sflag:s20], $0x4000  }
0x8b: {  	[sflag:s20] =	ssyncset.done $0x0  }
0x8c: {  	[sflag:s20] =	ssyncadd.s32 $0xFFFFC000  }
0x8d: {  	_ =	swait.ge [sflag:s17], $0x4000  }
0x8e: {  	[sflag:s17] =	ssyncset.done $0x0  }
0x8f: {  	[sflag:s17] =	ssyncadd.s32 $0xFFFFC000  }
0x90: {  	[hbm4b:s9+s3] =	stream.linear.scatter [tilespmem:s28], [sflag:$0x6], $0x4000, $0x38;
	[tilespmem:$0x15C00] =	vst v63  }
0x91: {  	_ =	swait.ge [sflag:s20], $0x4000  }
0x92: {  	[sflag:s20] =	ssyncset.done $0x0  }
0x93: {  	[sflag:s20] =	ssyncadd.s32 $0xFFFFC000  }
0x94: {  	s19 =	sadd.s32 $0x1, s19;
	_ =	swait.ge [sflag:s18], $0x4000  }
0x95: {  	p0 =	sne.s32 s19, s11;
	[sflag:s18] =	ssyncset.done $0x0  }
.Ltmp1:
0x96: {  	[sflag:s18] =	ssyncadd.s32 $0xFFFFC000;
	(pc) =	sbr.rel @p0 .LBB2_1-.Ltmp1, $4  }
0x97: {  	[hbm4b:s10+s3] =	stream.linear.scatter [tilespmem:s30], [sflag:$0x6], $0x4000, $0x38;
	[tilespmem:$0x15C00] =	vst v63  }
0x98: {  	_ =	swait.ge [sflag:s20], $0x4000  }
0x99: {  	[sflag:s20] =	ssyncset.done $0x0  }
0x9a: {  	[sflag:s20] =	ssyncadd.s32 $0xFFFFC000  }
0x9b: {  	_ =	sfence.sel $0x180000  }
0x9c: {  	[bflag:$0x0] =	sbarrier.arrive $0xFFFF  }
0x9d: {  	_ =	strace $0x90000047  }
0x9e: {  	s0 =	stileid.u32;
	[bflag:$0x2] =	sbarrier.arrive $0xFFFF  }
0x9f: {  	p0 =	sne.s32 s0, $0x0;
	s0 =	rddreg [dreg:$0x3]  }
0xa0: {  	s0 =	sadd.s32 @!p0 $0x100000, s0  }
0xa1: {  	[sflag:s0] =	ssyncadd.tile.s32 @!p0 $0x1;
	_ =	shalt  }
.Lfunc_end2:
_tile_overlayer_lowered:
.L_overlay_start_2:
0xa2: {  	(tag) =	ssettag $0x2  }
0xa3: {  	s0 =	rddreg [dreg:$0x0];
	s2 =	stileid.u32  }
0xa4: {  	s1 =	rddreg [dreg:$0x1];
	p0 =	sne.s32 s2, $0x0  }
0xa5: {  	s3 =	rddreg [dreg:$0x2];
	[bflag:$0x3] =	sbarrier.arrive $0xFFFF;
	s2 =	simm.s32 @!p0 $0x1C06  }
0xa6: {  	[timem:s3], [sflag:s2] =	dma.local @!p0 [hbm:s0], s1  }
0xa7: {  	s0 =	simm.s32 @!p0 $0x6  }
0xa8: {  	_ =	swait.ge @!p0 [sflag:s0], s1  }
0xa9: {  	s1 =	ssub.s32 @!p0 $0x0, s1;
	[sflag:s0] =	ssyncset.done @!p0 $0x0  }
0xaa: {  	[sflag:s0] =	ssyncadd.s32 @!p0 s1  }
0xab: {  	[bflag:$0x3] =	sbarrier.arrive $0xFFFF  }
0xac: {  	_ =	shalt  }

</sc_bundles>
